<compile_context>
chip_gen: v7x
topology: tpu7x:2x2x1
jax: 0.10.2.dev20260603
libtpu: 0.0.44.dev20260713+nightly
codegen_flags: <defaults>
</compile_context>

<pallas_src>
import functools

import jax
import jax.numpy as jnp
from jax import lax
from jax.experimental import pallas as pl
from jax.experimental.pallas import tpu as pltpu
from jax.experimental.pallas import tpu_sc as plsc

_NODES = 50000
_EDGES = 800000
_F = 64

_NC, _NS = 2, 16
_HALF = _NODES // _NC
_CNT_N = 25600

_LN2 = 0.6931471805599453


def _ssp(x):
    return jnp.maximum(x, 0.0) + jnp.log1p(jnp.exp(-jnp.abs(x))) - _LN2


_BE = 2000


def _edge_mlp_body(bf_ref, eh_ref, w1_ref, b1_ref, w2_ref, b2_ref, o_ref):
    h = _ssp(jnp.dot(bf_ref[...], w1_ref[...],
                     preferred_element_type=jnp.float32) + b1_ref[...])
    h = _ssp(jnp.dot(h, w2_ref[...],
                     preferred_element_type=jnp.float32) + b2_ref[...])
    o_ref[...] = h * eh_ref[...]


def _edge_mlp(bf, eh, W1, b1, W2, b2):
    return pl.pallas_call(
        _edge_mlp_body,
        grid=(_EDGES // _BE,),
        in_specs=[
            pl.BlockSpec((_BE, _F), lambda i: (i, 0)),
            pl.BlockSpec((_BE, _F), lambda i: (i, 0)),
            pl.BlockSpec((_F, _F), lambda i: (0, 0)),
            pl.BlockSpec((1, _F), lambda i: (0, 0)),
            pl.BlockSpec((_F, _F), lambda i: (0, 0)),
            pl.BlockSpec((1, _F), lambda i: (0, 0)),
        ],
        out_specs=pl.BlockSpec((_BE, _F), lambda i: (i, 0)),
        out_shape=jax.ShapeDtypeStruct((_EDGES, _F), jnp.float32),
    )(bf, eh, W1, b1, W2, b2)


_EPT = _EDGES // _NS
_CHUNK = 128
_FULL_CHUNKS = _EPT // _CHUNK
_REM = _EPT - _FULL_CHUNKS * _CHUNK
_REM_GROUPS = _REM // 16


def _sc_counts_body(dst_hbm, zcnt_hbm, counts_out, idx_all, cnt_v):
    c = lax.axis_index("c")
    s = lax.axis_index("s")
    ones16 = jnp.ones((16,), jnp.float32)
    iota16 = lax.iota(jnp.int32, 16)
    base = c * _HALF

    pltpu.sync_copy(dst_hbm.at[pl.ds(s * _EPT, _EPT)], idx_all)
    pltpu.sync_copy(zcnt_hbm, cnt_v)

    def _groups(off, groups):
        for g in range(groups):
            lpos = off + g * 16 + iota16
            v = plsc.load_gather(idx_all, [lpos])
            local = v - base
            inr = jnp.logical_and(local >= 0, local < _HALF)
            sel = jnp.where(inr, local, _HALF + (v & 255))
            plsc.addupdate_scatter(cnt_v, [sel], ones16, mask=inr)

    def _chunk_body(i, off):
        _groups(off, 8)
        return off + _CHUNK
    lax.fori_loop(0, _FULL_CHUNKS, _chunk_body, 0)
    _groups(_FULL_CHUNKS * _CHUNK, _REM_GROUPS)

    pltpu.sync_copy(cnt_v, counts_out.at[c, s])


_sc_counts = functools.partial(
    pl.kernel,
    out_type=jax.ShapeDtypeStruct((_NC, _NS, _CNT_N), jnp.float32),
    mesh=plsc.VectorSubcoreMesh(core_axis_name="c", subcore_axis_name="s",
                                num_cores=_NC, num_subcores=_NS),
    compiler_params=pltpu.CompilerParams(needs_layout_passes=False),
    scratch_types=[
        pltpu.VMEM((_EPT,), jnp.int32),
        pltpu.VMEM((_CNT_N,), jnp.float32),
    ],
)(_sc_counts_body)


_BN = 128


def _node_mlp_body(s_ref, c_ref, w3_ref, b3_ref, o_ref):
    cnt = jnp.sum(jnp.transpose(c_ref[0]), axis=1, keepdims=True)
    nh = s_ref[0] / jnp.maximum(cnt, 1.0)
    o_ref[0] = _ssp(jnp.dot(nh, w3_ref[...],
                            preferred_element_type=jnp.float32) + b3_ref[...])


def _node_mlp(summed, counts, W3, b3):
    nb = _CNT_N // _BN
    return pl.pallas_call(
        _node_mlp_body,
        grid=(_NC * nb,),
        in_specs=[
            pl.BlockSpec((1, _BN, _F), lambda i: (i // nb, i % nb, 0)),
            pl.BlockSpec((1, _NS, _BN), lambda i: (i // nb, 0, i % nb)),
            pl.BlockSpec((_F, _F), lambda i: (0, 0)),
            pl.BlockSpec((1, _F), lambda i: (0, 0)),
        ],
        out_specs=pl.BlockSpec((1, _BN, _F), lambda i: (i // nb, i % nb, 0)),
        out_shape=jax.ShapeDtypeStruct((_NC, _CNT_N, _F), jnp.float32),
    )(summed, counts, W3, b3)


def kernel(bf, eh, edge_index, W1, b1, W2, b2, W3, b3):
    dst = edge_index[1].astype(jnp.int32)
    m = _edge_mlp(bf, eh, W1, b1.reshape(1, _F), W2, b2.reshape(1, _F))
    zcnt = jnp.zeros((_CNT_N,), jnp.float32)
    counts = _sc_counts(dst, zcnt)
    summed = jax.ops.segment_sum(m, dst, num_segments=_NODES)
    summed = jnp.concatenate(
        [summed.reshape(_NC, _HALF, _F),
         jnp.zeros((_NC, _CNT_N - _HALF, _F), jnp.float32)], axis=1)
    out_padded = _node_mlp(summed, counts, W3, b3.reshape(1, _F))
    return out_padded[:, :_HALF, :].reshape(_NODES, _F)

# --- scband reference (transcript-rebuilt; emitter-appended) ---
"""Pipeline reference for scband-schnet-embedding-25220047962132 (READ-ONLY COPY).

The authoritative reference and input builder live on the scoring server;
editing this copy changes nothing except your own understanding.
"""

import jax, jax.numpy as jnp
import numpy as np

N_NODES = 50000
N_EDGES = 800000
IN_FEATS = 64
RADIAL_FEATS = 64
OUT_FEATS = 64


def ssp(x):
    # shifted softplus, standard SchNet nonlinearity used inside its MLP blocks
    return jax.nn.softplus(x) - jnp.log(2.0)


def setup_inputs(seed: int = 0) -> dict:
    key = jax.random.key(seed)
    k1, k2, k3, k4, k5, k6, k7, k8, k9 = jax.random.split(key, 9)
    bf = jax.random.normal(k1, (N_EDGES, RADIAL_FEATS), dtype=jnp.float32)
    eh = jax.random.normal(k2, (N_EDGES, IN_FEATS), dtype=jnp.float32)
    edge_index = jax.random.randint(k3, (2, N_EDGES), 0, N_NODES, dtype=jnp.int64)
    # learned params: FGN_MLP1 (radial->in), FGN_MLP2 (in->in), IB_MLP (in->out)
    W1 = jax.random.normal(k4, (RADIAL_FEATS, IN_FEATS), dtype=jnp.float32) * 0.05
    b1 = jnp.zeros((IN_FEATS,), dtype=jnp.float32)
    W2 = jax.random.normal(k5, (IN_FEATS, IN_FEATS), dtype=jnp.float32) * 0.05
    b2 = jnp.zeros((IN_FEATS,), dtype=jnp.float32)
    W3 = jax.random.normal(k6, (IN_FEATS, OUT_FEATS), dtype=jnp.float32) * 0.05
    b3 = jnp.zeros((OUT_FEATS,), dtype=jnp.float32)
    return {"bf": bf, "eh": eh, "edge_index": edge_index,
            "W1": W1, "b1": b1, "W2": W2, "b2": b2, "W3": W3, "b3": b3}


def reference(bf, eh, edge_index, W1, b1, W2, b2, W3, b3):
    # bf = FGN_MLP2(FGN_MLP1(g.edata['bf']))
    h = ssp(bf @ W1 + b1)
    h = ssp(h @ W2 + b2)
    # g.edata['h'] = bf * g.edata['h']
    m = h * eh
    # g.update_all(fn.copy_e('h','m'), fn.mean('m','h')): mean over incoming edges per dst node
    dst = edge_index[1]
    summed = jax.ops.segment_sum(m, dst, num_segments=N_NODES)
    counts = jax.ops.segment_sum(jnp.ones((N_EDGES,), dtype=jnp.float32), dst, num_segments=N_NODES)
    node_h = summed / jnp.maximum(counts, 1.0)[:, None]
    # out = IB_MLP(g.ndata['h'])
    out = ssp(node_h @ W3 + b3)
    return out

if __name__ == "__main__":
    import jax
    _d = setup_inputs()
    print(jax.jit(kernel)(*tuple(_d.values())))

</pallas_src>

<mosaic_0001>
#map = affine_map<(d0, d1) -> (0)>
#map1 = affine_map<(d0, d1) -> (0, 0, 0)>
module attributes {stable_mosaic.version = 14 : i64} {
  func.func @_sc_counts_body(%arg0: i32, %arg1: i32, %arg2: memref<800000xi32, #tpu.memory_space<hbm>>, %arg3: memref<25600xf32, #tpu.memory_space<hbm>>, %arg4: memref<2x16x25600xf32, #tpu.memory_space<hbm>>, %arg5: memref<50000xi32, #tpu.memory_space<vmem>>, %arg6: memref<25600xf32, #tpu.memory_space<vmem>>) attributes {dimension_semantics = [#tpu.dimension_semantics<core_parallel>, #tpu.dimension_semantics<subcore_parallel>], iteration_bounds = array<i64: 2, 16>, scalar_prefetch = 0 : i64, scratch_operands = 2 : i64, tpu.core_type = #tpu.core_type<sc_vector_subcore>, window_params = [{transform_indices = #map}, {transform_indices = #map}, {transform_indices = #map1}]} {
    %broadcast_in_dim3A = arith.constant 1.000000e+00 : f32
    %broadcast_in_dim3A_0 = vector.broadcast %broadcast_in_dim3A : f32 to vector<16xf32>
    %iota3A = tpu.iota {dimensions = array<i32: 0>} : vector<16xi32>
    %mul3A = arith.constant 25000 : i32
    %mul3A_1 = arith.muli %arg0, %mul3A : i32
    %mul3A_2 = arith.constant 50000 : i32
    %mul3A_3 = arith.muli %arg1, %mul3A_2 : i32
    "tpu.region"() ({
      %run_scoped3A = tpu.sem_alloc : memref<!tpu.dma_semaphore, #tpu.memory_space<semaphore_mem>>
      %dma_start3A = tpu.memref_slice %arg2[%mul3A_3] : memref<800000xi32, #tpu.memory_space<hbm>> -> memref<50000xi32, #tpu.memory_space<hbm>>
      %dma_start3A_103 = tpu.memref_slice %arg2[%mul3A_3] : memref<800000xi32, #tpu.memory_space<hbm>> -> memref<50000xi32, #tpu.memory_space<hbm>>
      tpu.enqueue_dma source(%dma_start3A_103 : memref<50000xi32, #tpu.memory_space<hbm>>) target(%arg5 : memref<50000xi32, #tpu.memory_space<vmem>>) target_semaphore(%run_scoped3A : memref<!tpu.dma_semaphore, #tpu.memory_space<semaphore_mem>>)
      %dma_wait3A = tpu.memref_slice %arg2[%mul3A_3] : memref<800000xi32, #tpu.memory_space<hbm>> -> memref<50000xi32, #tpu.memory_space<hbm>>
      %dma_wait3A_104 = tpu.memref_slice %arg2[%mul3A_3] : memref<800000xi32, #tpu.memory_space<hbm>> -> memref<50000xi32, #tpu.memory_space<hbm>>
      tpu.wait_dma2 semaphore(%run_scoped3A : memref<!tpu.dma_semaphore, #tpu.memory_space<semaphore_mem>>) src(%dma_wait3A_104 : memref<50000xi32, #tpu.memory_space<hbm>>) dst(%arg5 : memref<50000xi32, #tpu.memory_space<vmem>>)
      tpu.yield
    }) : () -> ()
    "tpu.region"() ({
      %run_scoped3A = tpu.sem_alloc : memref<!tpu.dma_semaphore, #tpu.memory_space<semaphore_mem>>
      tpu.enqueue_dma source(%arg3 : memref<25600xf32, #tpu.memory_space<hbm>>) target(%arg6 : memref<25600xf32, #tpu.memory_space<vmem>>) target_semaphore(%run_scoped3A : memref<!tpu.dma_semaphore, #tpu.memory_space<semaphore_mem>>)
      tpu.wait_dma2 semaphore(%run_scoped3A : memref<!tpu.dma_semaphore, #tpu.memory_space<semaphore_mem>>) src(%arg3 : memref<25600xf32, #tpu.memory_space<hbm>>) dst(%arg6 : memref<25600xf32, #tpu.memory_space<vmem>>)
      tpu.yield
    }) : () -> ()
    %scan3A = arith.constant 0 : i32
    %scan3A_4 = arith.constant 0 : i32
    %scan3A_5 = arith.constant 390 : i32
    %scan3A_6 = arith.addi %scan3A_4, %scan3A_5 : i32
    %scan3A_7 = arith.constant 1 : i32
    %scan3A_8 = scf.for %scan3A_103 = %scan3A_4 to %scan3A_6 step %scan3A_7 iter_args(%scan3A_104 = %scan3A) -> (i32)  : i32 {
      %add3A_105 = arith.constant 0 : i32
      %add3A_106 = arith.addi %scan3A_104, %add3A_105 : i32
      %add3A_107 = vector.broadcast %add3A_106 : i32 to vector<16xi32>
      %add3A_108 = arith.addi %add3A_107, %iota3A : vector<16xi32>
      %gather3A_109 = tpu.vector_load_idx %arg5[%add3A_108] : memref<50000xi32, #tpu.memory_space<vmem>>[vector<16xi32>], vector<16xi32>,
      %sub3A_110 = vector.broadcast %mul3A_1 : i32 to vector<16xi32>
      %sub3A_111 = arith.subi %gather3A_109, %sub3A_110 : vector<16xi32>
      %ge3A_112 = arith.constant 0 : i32
      %ge3A_113 = vector.broadcast %ge3A_112 : i32 to vector<16xi32>
      %ge3A_114 = arith.cmpi sge, %sub3A_111, %ge3A_113 : vector<16xi32>
      %lt3A_115 = arith.constant 25000 : i32
      %lt3A_116 = vector.broadcast %lt3A_115 : i32 to vector<16xi32>
      %lt3A_117 = arith.cmpi slt, %sub3A_111, %lt3A_116 : vector<16xi32>
      %and3A_118 = arith.andi %ge3A_114, %lt3A_117 : vector<16xi1>
      %and3A_119 = arith.constant 255 : i32
      %and3A_120 = vector.broadcast %and3A_119 : i32 to vector<16xi32>
      %and3A_121 = arith.andi %gather3A_109, %and3A_120 : vector<16xi32>
      %add3A_122 = arith.constant 25000 : i32
      %add3A_123 = vector.broadcast %add3A_122 : i32 to vector<16xi32>
      %add3A_124 = arith.addi %add3A_123, %and3A_121 : vector<16xi32>
      %select_n3A_125 = arith.select %and3A_118, %sub3A_111, %add3A_124 : vector<16xi1>, vector<16xi32>
      tpu.vector_store_idx %arg6[%select_n3A_125], %broadcast_in_dim3A_0 masked %and3A_118 {add = true} : memref<25600xf32, #tpu.memory_space<vmem>>[vector<16xi32>], vector<16xf32>, vector<16xi1>
      %add3A_126 = arith.constant 16 : i32
      %add3A_127 = arith.addi %scan3A_104, %add3A_126 : i32
      %add3A_128 = vector.broadcast %add3A_127 : i32 to vector<16xi32>
      %add3A_129 = arith.addi %add3A_128, %iota3A : vector<16xi32>
      %gather3A_130 = tpu.vector_load_idx %arg5[%add3A_129] : memref<50000xi32, #tpu.memory_space<vmem>>[vector<16xi32>], vector<16xi32>,
      %sub3A_131 = vector.broadcast %mul3A_1 : i32 to vector<16xi32>
      %sub3A_132 = arith.subi %gather3A_130, %sub3A_131 : vector<16xi32>
      %ge3A_133 = arith.constant 0 : i32
      %ge3A_134 = vector.broadcast %ge3A_133 : i32 to vector<16xi32>
      %ge3A_135 = arith.cmpi sge, %sub3A_132, %ge3A_134 : vector<16xi32>
      %lt3A_136 = arith.constant 25000 : i32
      %lt3A_137 = vector.broadcast %lt3A_136 : i32 to vector<16xi32>
      %lt3A_138 = arith.cmpi slt, %sub3A_132, %lt3A_137 : vector<16xi32>
      %and3A_139 = arith.andi %ge3A_135, %lt3A_138 : vector<16xi1>
      %and3A_140 = arith.constant 255 : i32
      %and3A_141 = vector.broadcast %and3A_140 : i32 to vector<16xi32>
      %and3A_142 = arith.andi %gather3A_130, %and3A_141 : vector<16xi32>
      %add3A_143 = arith.constant 25000 : i32
      %add3A_144 = vector.broadcast %add3A_143 : i32 to vector<16xi32>
      %add3A_145 = arith.addi %add3A_144, %and3A_142 : vector<16xi32>
      %select_n3A_146 = arith.select %and3A_139, %sub3A_132, %add3A_145 : vector<16xi1>, vector<16xi32>
      tpu.vector_store_idx %arg6[%select_n3A_146], %broadcast_in_dim3A_0 masked %and3A_139 {add = true} : memref<25600xf32, #tpu.memory_space<vmem>>[vector<16xi32>], vector<16xf32>, vector<16xi1>
      %add3A_147 = arith.constant 32 : i32
      %add3A_148 = arith.addi %scan3A_104, %add3A_147 : i32
      %add3A_149 = vector.broadcast %add3A_148 : i32 to vector<16xi32>
      %add3A_150 = arith.addi %add3A_149, %iota3A : vector<16xi32>
      %gather3A_151 = tpu.vector_load_idx %arg5[%add3A_150] : memref<50000xi32, #tpu.memory_space<vmem>>[vector<16xi32>], vector<16xi32>,
      %sub3A_152 = vector.broadcast %mul3A_1 : i32 to vector<16xi32>
      %sub3A_153 = arith.subi %gather3A_151, %sub3A_152 : vector<16xi32>
      %ge3A_154 = arith.constant 0 : i32
      %ge3A_155 = vector.broadcast %ge3A_154 : i32 to vector<16xi32>
      %ge3A_156 = arith.cmpi sge, %sub3A_153, %ge3A_155 : vector<16xi32>
      %lt3A_157 = arith.constant 25000 : i32
      %lt3A_158 = vector.broadcast %lt3A_157 : i32 to vector<16xi32>
      %lt3A_159 = arith.cmpi slt, %sub3A_153, %lt3A_158 : vector<16xi32>
      %and3A_160 = arith.andi %ge3A_156, %lt3A_159 : vector<16xi1>
      %and3A_161 = arith.constant 255 : i32
      %and3A_162 = vector.broadcast %and3A_161 : i32 to vector<16xi32>
      %and3A_163 = arith.andi %gather3A_151, %and3A_162 : vector<16xi32>
      %add3A_164 = arith.constant 25000 : i32
      %add3A_165 = vector.broadcast %add3A_164 : i32 to vector<16xi32>
      %add3A_166 = arith.addi %add3A_165, %and3A_163 : vector<16xi32>
      %select_n3A_167 = arith.select %and3A_160, %sub3A_153, %add3A_166 : vector<16xi1>, vector<16xi32>
      tpu.vector_store_idx %arg6[%select_n3A_167], %broadcast_in_dim3A_0 masked %and3A_160 {add = true} : memref<25600xf32, #tpu.memory_space<vmem>>[vector<16xi32>], vector<16xf32>, vector<16xi1>
      %add3A_168 = arith.constant 48 : i32
      %add3A_169 = arith.addi %scan3A_104, %add3A_168 : i32
      %add3A_170 = vector.broadcast %add3A_169 : i32 to vector<16xi32>
      %add3A_171 = arith.addi %add3A_170, %iota3A : vector<16xi32>
      %gather3A_172 = tpu.vector_load_idx %arg5[%add3A_171] : memref<50000xi32, #tpu.memory_space<vmem>>[vector<16xi32>], vector<16xi32>,
      %sub3A_173 = vector.broadcast %mul3A_1 : i32 to vector<16xi32>
      %sub3A_174 = arith.subi %gather3A_172, %sub3A_173 : vector<16xi32>
      %ge3A_175 = arith.constant 0 : i32
      %ge3A_176 = vector.broadcast %ge3A_175 : i32 to vector<16xi32>
      %ge3A_177 = arith.cmpi sge, %sub3A_174, %ge3A_176 : vector<16xi32>
      %lt3A_178 = arith.constant 25000 : i32
      %lt3A_179 = vector.broadcast %lt3A_178 : i32 to vector<16xi32>
      %lt3A_180 = arith.cmpi slt, %sub3A_174, %lt3A_179 : vector<16xi32>
      %and3A_181 = arith.andi %ge3A_177, %lt3A_180 : vector<16xi1>
      %and3A_182 = arith.constant 255 : i32
      %and3A_183 = vector.broadcast %and3A_182 : i32 to vector<16xi32>
      %and3A_184 = arith.andi %gather3A_172, %and3A_183 : vector<16xi32>
      %add3A_185 = arith.constant 25000 : i32
      %add3A_186 = vector.broadcast %add3A_185 : i32 to vector<16xi32>
      %add3A_187 = arith.addi %add3A_186, %and3A_184 : vector<16xi32>
      %select_n3A_188 = arith.select %and3A_181, %sub3A_174, %add3A_187 : vector<16xi1>, vector<16xi32>
      tpu.vector_store_idx %arg6[%select_n3A_188], %broadcast_in_dim3A_0 masked %and3A_181 {add = true} : memref<25600xf32, #tpu.memory_space<vmem>>[vector<16xi32>], vector<16xf32>, vector<16xi1>
      %add3A_189 = arith.constant 64 : i32
      %add3A_190 = arith.addi %scan3A_104, %add3A_189 : i32
      %add3A_191 = vector.broadcast %add3A_190 : i32 to vector<16xi32>
      %add3A_192 = arith.addi %add3A_191, %iota3A : vector<16xi32>
      %gather3A_193 = tpu.vector_load_idx %arg5[%add3A_192] : memref<50000xi32, #tpu.memory_space<vmem>>[vector<16xi32>], vector<16xi32>,
      %sub3A_194 = vector.broadcast %mul3A_1 : i32 to vector<16xi32>
      %sub3A_195 = arith.subi %gather3A_193, %sub3A_194 : vector<16xi32>
      %ge3A_196 = arith.constant 0 : i32
      %ge3A_197 = vector.broadcast %ge3A_196 : i32 to vector<16xi32>
      %ge3A_198 = arith.cmpi sge, %sub3A_195, %ge3A_197 : vector<16xi32>
      %lt3A_199 = arith.constant 25000 : i32
      %lt3A_200 = vector.broadcast %lt3A_199 : i32 to vector<16xi32>
      %lt3A_201 = arith.cmpi slt, %sub3A_195, %lt3A_200 : vector<16xi32>
      %and3A_202 = arith.andi %ge3A_198, %lt3A_201 : vector<16xi1>
      %and3A_203 = arith.constant 255 : i32
      %and3A_204 = vector.broadcast %and3A_203 : i32 to vector<16xi32>
      %and3A_205 = arith.andi %gather3A_193, %and3A_204 : vector<16xi32>
      %add3A_206 = arith.constant 25000 : i32
      %add3A_207 = vector.broadcast %add3A_206 : i32 to vector<16xi32>
      %add3A_208 = arith.addi %add3A_207, %and3A_205 : vector<16xi32>
      %select_n3A_209 = arith.select %and3A_202, %sub3A_195, %add3A_208 : vector<16xi1>, vector<16xi32>
      tpu.vector_store_idx %arg6[%select_n3A_209], %broadcast_in_dim3A_0 masked %and3A_202 {add = true} : memref<25600xf32, #tpu.memory_space<vmem>>[vector<16xi32>], vector<16xf32>, vector<16xi1>
      %add3A_210 = arith.constant 80 : i32
      %add3A_211 = arith.addi %scan3A_104, %add3A_210 : i32
      %add3A_212 = vector.broadcast %add3A_211 : i32 to vector<16xi32>
      %add3A_213 = arith.addi %add3A_212, %iota3A : vector<16xi32>
      %gather3A_214 = tpu.vector_load_idx %arg5[%add3A_213] : memref<50000xi32, #tpu.memory_space<vmem>>[vector<16xi32>], vector<16xi32>,
      %sub3A_215 = vector.broadcast %mul3A_1 : i32 to vector<16xi32>
      %sub3A_216 = arith.subi %gather3A_214, %sub3A_215 : vector<16xi32>
      %ge3A_217 = arith.constant 0 : i32
      %ge3A_218 = vector.broadcast %ge3A_217 : i32 to vector<16xi32>
      %ge3A_219 = arith.cmpi sge, %sub3A_216, %ge3A_218 : vector<16xi32>
      %lt3A_220 = arith.constant 25000 : i32
      %lt3A_221 = vector.broadcast %lt3A_220 : i32 to vector<16xi32>
      %lt3A_222 = arith.cmpi slt, %sub3A_216, %lt3A_221 : vector<16xi32>
      %and3A_223 = arith.andi %ge3A_219, %lt3A_222 : vector<16xi1>
      %and3A_224 = arith.constant 255 : i32
      %and3A_225 = vector.broadcast %and3A_224 : i32 to vector<16xi32>
      %and3A_226 = arith.andi %gather3A_214, %and3A_225 : vector<16xi32>
      %add3A_227 = arith.constant 25000 : i32
      %add3A_228 = vector.broadcast %add3A_227 : i32 to vector<16xi32>
      %add3A_229 = arith.addi %add3A_228, %and3A_226 : vector<16xi32>
      %select_n3A_230 = arith.select %and3A_223, %sub3A_216, %add3A_229 : vector<16xi1>, vector<16xi32>
      tpu.vector_store_idx %arg6[%select_n3A_230], %broadcast_in_dim3A_0 masked %and3A_223 {add = true} : memref<25600xf32, #tpu.memory_space<vmem>>[vector<16xi32>], vector<16xf32>, vector<16xi1>
      %add3A_231 = arith.constant 96 : i32
      %add3A_232 = arith.addi %scan3A_104, %add3A_231 : i32
      %add3A_233 = vector.broadcast %add3A_232 : i32 to vector<16xi32>
      %add3A_234 = arith.addi %add3A_233, %iota3A : vector<16xi32>
      %gather3A_235 = tpu.vector_load_idx %arg5[%add3A_234] : memref<50000xi32, #tpu.memory_space<vmem>>[vector<16xi32>], vector<16xi32>,
      %sub3A_236 = vector.broadcast %mul3A_1 : i32 to vector<16xi32>
      %sub3A_237 = arith.subi %gather3A_235, %sub3A_236 : vector<16xi32>
      %ge3A_238 = arith.constant 0 : i32
      %ge3A_239 = vector.broadcast %ge3A_238 : i32 to vector<16xi32>
      %ge3A_240 = arith.cmpi sge, %sub3A_237, %ge3A_239 : vector<16xi32>
      %lt3A_241 = arith.constant 25000 : i32
      %lt3A_242 = vector.broadcast %lt3A_241 : i32 to vector<16xi32>
      %lt3A_243 = arith.cmpi slt, %sub3A_237, %lt3A_242 : vector<16xi32>
      %and3A_244 = arith.andi %ge3A_240, %lt3A_243 : vector<16xi1>
      %and3A_245 = arith.constant 255 : i32
      %and3A_246 = vector.broadcast %and3A_245 : i32 to vector<16xi32>
      %and3A_247 = arith.andi %gather3A_235, %and3A_246 : vector<16xi32>
      %add3A_248 = arith.constant 25000 : i32
      %add3A_249 = vector.broadcast %add3A_248 : i32 to vector<16xi32>
      %add3A_250 = arith.addi %add3A_249, %and3A_247 : vector<16xi32>
      %select_n3A_251 = arith.select %and3A_244, %sub3A_237, %add3A_250 : vector<16xi1>, vector<16xi32>
      tpu.vector_store_idx %arg6[%select_n3A_251], %broadcast_in_dim3A_0 masked %and3A_244 {add = true} : memref<25600xf32, #tpu.memory_space<vmem>>[vector<16xi32>], vector<16xf32>, vector<16xi1>
      %add3A_252 = arith.constant 112 : i32
      %add3A_253 = arith.addi %scan3A_104, %add3A_252 : i32
      %add3A_254 = vector.broadcast %add3A_253 : i32 to vector<16xi32>
      %add3A_255 = arith.addi %add3A_254, %iota3A : vector<16xi32>
      %gather3A_256 = tpu.vector_load_idx %arg5[%add3A_255] : memref<50000xi32, #tpu.memory_space<vmem>>[vector<16xi32>], vector<16xi32>,
      %sub3A_257 = vector.broadcast %mul3A_1 : i32 to vector<16xi32>
      %sub3A_258 = arith.subi %gather3A_256, %sub3A_257 : vector<16xi32>
      %ge3A_259 = arith.constant 0 : i32
      %ge3A_260 = vector.broadcast %ge3A_259 : i32 to vector<16xi32>
      %ge3A_261 = arith.cmpi sge, %sub3A_258, %ge3A_260 : vector<16xi32>
      %lt3A_262 = arith.constant 25000 : i32
      %lt3A_263 = vector.broadcast %lt3A_262 : i32 to vector<16xi32>
      %lt3A_264 = arith.cmpi slt, %sub3A_258, %lt3A_263 : vector<16xi32>
      %and3A_265 = arith.andi %ge3A_261, %lt3A_264 : vector<16xi1>
      %and3A_266 = arith.constant 255 : i32
      %and3A_267 = vector.broadcast %and3A_266 : i32 to vector<16xi32>
      %and3A_268 = arith.andi %gather3A_256, %and3A_267 : vector<16xi32>
      %add3A_269 = arith.constant 25000 : i32
      %add3A_270 = vector.broadcast %add3A_269 : i32 to vector<16xi32>
      %add3A_271 = arith.addi %add3A_270, %and3A_268 : vector<16xi32>
      %select_n3A_272 = arith.select %and3A_265, %sub3A_258, %add3A_271 : vector<16xi1>, vector<16xi32>
      tpu.vector_store_idx %arg6[%select_n3A_272], %broadcast_in_dim3A_0 masked %and3A_265 {add = true} : memref<25600xf32, #tpu.memory_space<vmem>>[vector<16xi32>], vector<16xf32>, vector<16xi1>
      %add3A_273 = arith.constant 128 : i32
      %add3A_274 = arith.addi %scan3A_104, %add3A_273 : i32
      scf.yield %add3A_274 : i32
    }
    %scan3A_9 = arith.constant 390 : i32
    %add3A = arith.constant 49920 : i32
    %add3A_10 = vector.broadcast %add3A : i32 to vector<16xi32>
    %add3A_11 = arith.addi %add3A_10, %iota3A : vector<16xi32>
    %gather3A = tpu.vector_load_idx %arg5[%add3A_11] : memref<50000xi32, #tpu.memory_space<vmem>>[vector<16xi32>], vector<16xi32>,
    %sub3A = vector.broadcast %mul3A_1 : i32 to vector<16xi32>
    %sub3A_12 = arith.subi %gather3A, %sub3A : vector<16xi32>
    %ge3A = arith.constant 0 : i32
    %ge3A_13 = vector.broadcast %ge3A : i32 to vector<16xi32>
    %ge3A_14 = arith.cmpi sge, %sub3A_12, %ge3A_13 : vector<16xi32>
    %lt3A = arith.constant 25000 : i32
    %lt3A_15 = vector.broadcast %lt3A : i32 to vector<16xi32>
    %lt3A_16 = arith.cmpi slt, %sub3A_12, %lt3A_15 : vector<16xi32>
    %and3A = arith.andi %ge3A_14, %lt3A_16 : vector<16xi1>
    %and3A_17 = arith.constant 255 : i32
    %and3A_18 = vector.broadcast %and3A_17 : i32 to vector<16xi32>
    %and3A_19 = arith.andi %gather3A, %and3A_18 : vector<16xi32>
    %add3A_20 = arith.constant 25000 : i32
    %add3A_21 = vector.broadcast %add3A_20 : i32 to vector<16xi32>
    %add3A_22 = arith.addi %add3A_21, %and3A_19 : vector<16xi32>
    %select_n3A = arith.select %and3A, %sub3A_12, %add3A_22 : vector<16xi1>, vector<16xi32>
    tpu.vector_store_idx %arg6[%select_n3A], %broadcast_in_dim3A_0 masked %and3A {add = true} : memref<25600xf32, #tpu.memory_space<vmem>>[vector<16xi32>], vector<16xf32>, vector<16xi1>
    %add3A_23 = arith.constant 49936 : i32
    %add3A_24 = vector.broadcast %add3A_23 : i32 to vector<16xi32>
    %add3A_25 = arith.addi %add3A_24, %iota3A : vector<16xi32>
    %gather3A_26 = tpu.vector_load_idx %arg5[%add3A_25] : memref<50000xi32, #tpu.memory_space<vmem>>[vector<16xi32>], vector<16xi32>,
    %sub3A_27 = vector.broadcast %mul3A_1 : i32 to vector<16xi32>
    %sub3A_28 = arith.subi %gather3A_26, %sub3A_27 : vector<16xi32>
    %ge3A_29 = arith.constant 0 : i32
    %ge3A_30 = vector.broadcast %ge3A_29 : i32 to vector<16xi32>
    %ge3A_31 = arith.cmpi sge, %sub3A_28, %ge3A_30 : vector<16xi32>
    %lt3A_32 = arith.constant 25000 : i32
    %lt3A_33 = vector.broadcast %lt3A_32 : i32 to vector<16xi32>
    %lt3A_34 = arith.cmpi slt, %sub3A_28, %lt3A_33 : vector<16xi32>
    %and3A_35 = arith.andi %ge3A_31, %lt3A_34 : vector<16xi1>
    %and3A_36 = arith.constant 255 : i32
    %and3A_37 = vector.broadcast %and3A_36 : i32 to vector<16xi32>
    %and3A_38 = arith.andi %gather3A_26, %and3A_37 : vector<16xi32>
    %add3A_39 = arith.constant 25000 : i32
    %add3A_40 = vector.broadcast %add3A_39 : i32 to vector<16xi32>
    %add3A_41 = arith.addi %add3A_40, %and3A_38 : vector<16xi32>
    %select_n3A_42 = arith.select %and3A_35, %sub3A_28, %add3A_41 : vector<16xi1>, vector<16xi32>
    tpu.vector_store_idx %arg6[%select_n3A_42], %broadcast_in_dim3A_0 masked %and3A_35 {add = true} : memref<25600xf32, #tpu.memory_space<vmem>>[vector<16xi32>], vector<16xf32>, vector<16xi1>
    %add3A_43 = arith.constant 49952 : i32
    %add3A_44 = vector.broadcast %add3A_43 : i32 to vector<16xi32>
    %add3A_45 = arith.addi %add3A_44, %iota3A : vector<16xi32>
    %gather3A_46 = tpu.vector_load_idx %arg5[%add3A_45] : memref<50000xi32, #tpu.memory_space<vmem>>[vector<16xi32>], vector<16xi32>,
    %sub3A_47 = vector.broadcast %mul3A_1 : i32 to vector<16xi32>
    %sub3A_48 = arith.subi %gather3A_46, %sub3A_47 : vector<16xi32>
    %ge3A_49 = arith.constant 0 : i32
    %ge3A_50 = vector.broadcast %ge3A_49 : i32 to vector<16xi32>
    %ge3A_51 = arith.cmpi sge, %sub3A_48, %ge3A_50 : vector<16xi32>
    %lt3A_52 = arith.constant 25000 : i32
    %lt3A_53 = vector.broadcast %lt3A_52 : i32 to vector<16xi32>
    %lt3A_54 = arith.cmpi slt, %sub3A_48, %lt3A_53 : vector<16xi32>
    %and3A_55 = arith.andi %ge3A_51, %lt3A_54 : vector<16xi1>
    %and3A_56 = arith.constant 255 : i32
    %and3A_57 = vector.broadcast %and3A_56 : i32 to vector<16xi32>
    %and3A_58 = arith.andi %gather3A_46, %and3A_57 : vector<16xi32>
    %add3A_59 = arith.constant 25000 : i32
    %add3A_60 = vector.broadcast %add3A_59 : i32 to vector<16xi32>
    %add3A_61 = arith.addi %add3A_60, %and3A_58 : vector<16xi32>
    %select_n3A_62 = arith.select %and3A_55, %sub3A_48, %add3A_61 : vector<16xi1>, vector<16xi32>
    tpu.vector_store_idx %arg6[%select_n3A_62], %broadcast_in_dim3A_0 masked %and3A_55 {add = true} : memref<25600xf32, #tpu.memory_space<vmem>>[vector<16xi32>], vector<16xf32>, vector<16xi1>
    %add3A_63 = arith.constant 49968 : i32
    %add3A_64 = vector.broadcast %add3A_63 : i32 to vector<16xi32>
    %add3A_65 = arith.addi %add3A_64, %iota3A : vector<16xi32>
    %gather3A_66 = tpu.vector_load_idx %arg5[%add3A_65] : memref<50000xi32, #tpu.memory_space<vmem>>[vector<16xi32>], vector<16xi32>,
    %sub3A_67 = vector.broadcast %mul3A_1 : i32 to vector<16xi32>
    %sub3A_68 = arith.subi %gather3A_66, %sub3A_67 : vector<16xi32>
    %ge3A_69 = arith.constant 0 : i32
    %ge3A_70 = vector.broadcast %ge3A_69 : i32 to vector<16xi32>
    %ge3A_71 = arith.cmpi sge, %sub3A_68, %ge3A_70 : vector<16xi32>
    %lt3A_72 = arith.constant 25000 : i32
    %lt3A_73 = vector.broadcast %lt3A_72 : i32 to vector<16xi32>
    %lt3A_74 = arith.cmpi slt, %sub3A_68, %lt3A_73 : vector<16xi32>
    %and3A_75 = arith.andi %ge3A_71, %lt3A_74 : vector<16xi1>
    %and3A_76 = arith.constant 255 : i32
    %and3A_77 = vector.broadcast %and3A_76 : i32 to vector<16xi32>
    %and3A_78 = arith.andi %gather3A_66, %and3A_77 : vector<16xi32>
    %add3A_79 = arith.constant 25000 : i32
    %add3A_80 = vector.broadcast %add3A_79 : i32 to vector<16xi32>
    %add3A_81 = arith.addi %add3A_80, %and3A_78 : vector<16xi32>
    %select_n3A_82 = arith.select %and3A_75, %sub3A_68, %add3A_81 : vector<16xi1>, vector<16xi32>
    tpu.vector_store_idx %arg6[%select_n3A_82], %broadcast_in_dim3A_0 masked %and3A_75 {add = true} : memref<25600xf32, #tpu.memory_space<vmem>>[vector<16xi32>], vector<16xf32>, vector<16xi1>
    %add3A_83 = arith.constant 49984 : i32
    %add3A_84 = vector.broadcast %add3A_83 : i32 to vector<16xi32>
    %add3A_85 = arith.addi %add3A_84, %iota3A : vector<16xi32>
    %gather3A_86 = tpu.vector_load_idx %arg5[%add3A_85] : memref<50000xi32, #tpu.memory_space<vmem>>[vector<16xi32>], vector<16xi32>,
    %sub3A_87 = vector.broadcast %mul3A_1 : i32 to vector<16xi32>
    %sub3A_88 = arith.subi %gather3A_86, %sub3A_87 : vector<16xi32>
    %ge3A_89 = arith.constant 0 : i32
    %ge3A_90 = vector.broadcast %ge3A_89 : i32 to vector<16xi32>
    %ge3A_91 = arith.cmpi sge, %sub3A_88, %ge3A_90 : vector<16xi32>
    %lt3A_92 = arith.constant 25000 : i32
    %lt3A_93 = vector.broadcast %lt3A_92 : i32 to vector<16xi32>
    %lt3A_94 = arith.cmpi slt, %sub3A_88, %lt3A_93 : vector<16xi32>
    %and3A_95 = arith.andi %ge3A_91, %lt3A_94 : vector<16xi1>
    %and3A_96 = arith.constant 255 : i32
    %and3A_97 = vector.broadcast %and3A_96 : i32 to vector<16xi32>
    %and3A_98 = arith.andi %gather3A_86, %and3A_97 : vector<16xi32>
    %add3A_99 = arith.constant 25000 : i32
    %add3A_100 = vector.broadcast %add3A_99 : i32 to vector<16xi32>
    %add3A_101 = arith.addi %add3A_100, %and3A_98 : vector<16xi32>
    %select_n3A_102 = arith.select %and3A_95, %sub3A_88, %add3A_101 : vector<16xi1>, vector<16xi32>
    tpu.vector_store_idx %arg6[%select_n3A_102], %broadcast_in_dim3A_0 masked %and3A_95 {add = true} : memref<25600xf32, #tpu.memory_space<vmem>>[vector<16xi32>], vector<16xf32>, vector<16xi1>
    "tpu.region"() ({
      %run_scoped3A = tpu.sem_alloc : memref<!tpu.dma_semaphore, #tpu.memory_space<semaphore_mem>>
      %dma_start3A = arith.constant 0 : i32
      %dma_start3A_103 = tpu.memref_slice %arg4[%arg0, %arg1, %dma_start3A] : memref<2x16x25600xf32, #tpu.memory_space<hbm>> -> memref<1x1x25600xf32, #tpu.memory_space<hbm>>
      %dma_start3A_104 = tpu.memref_squeeze %dma_start3A_103 : memref<1x1x25600xf32, #tpu.memory_space<hbm>> -> memref<25600xf32, #tpu.memory_space<hbm>>
      %dma_start3A_105 = arith.constant 0 : i32
      %dma_start3A_106 = tpu.memref_slice %arg4[%arg0, %arg1, %dma_start3A_105] : memref<2x16x25600xf32, #tpu.memory_space<hbm>> -> memref<1x1x25600xf32, #tpu.memory_space<hbm>>
      %dma_start3A_107 = tpu.memref_squeeze %dma_start3A_106 : memref<1x1x25600xf32, #tpu.memory_space<hbm>> -> memref<25600xf32, #tpu.memory_space<hbm>>
      tpu.enqueue_dma source(%arg6 : memref<25600xf32, #tpu.memory_space<vmem>>) target(%dma_start3A_107 : memref<25600xf32, #tpu.memory_space<hbm>>) target_semaphore(%run_scoped3A : memref<!tpu.dma_semaphore, #tpu.memory_space<semaphore_mem>>)
      %dma_wait3A = arith.constant 0 : i32
      %dma_wait3A_108 = tpu.memref_slice %arg4[%arg0, %arg1, %dma_wait3A] : memref<2x16x25600xf32, #tpu.memory_space<hbm>> -> memref<1x1x25600xf32, #tpu.memory_space<hbm>>
      %dma_wait3A_109 = tpu.memref_squeeze %dma_wait3A_108 : memref<1x1x25600xf32, #tpu.memory_space<hbm>> -> memref<25600xf32, #tpu.memory_space<hbm>>
      %dma_wait3A_110 = arith.constant 0 : i32
      %dma_wait3A_111 = tpu.memref_slice %arg4[%arg0, %arg1, %dma_wait3A_110] : memref<2x16x25600xf32, #tpu.memory_space<hbm>> -> memref<1x1x25600xf32, #tpu.memory_space<hbm>>
      %dma_wait3A_112 = tpu.memref_squeeze %dma_wait3A_111 : memref<1x1x25600xf32, #tpu.memory_space<hbm>> -> memref<25600xf32, #tpu.memory_space<hbm>>
      tpu.wait_dma2 semaphore(%run_scoped3A : memref<!tpu.dma_semaphore, #tpu.memory_space<semaphore_mem>>) src(%arg6 : memref<25600xf32, #tpu.memory_space<vmem>>) dst(%dma_wait3A_112 : memref<25600xf32, #tpu.memory_space<hbm>>)
      tpu.yield
    }) : () -> ()
    return
  }
}

module attributes {stable_mosaic.version = 14 : i64} {
  func.func @_edge_mlp_body(%arg0: i32, %arg1: memref<2000x64xf32, #tpu.memory_space<vmem>>, %arg2: memref<2000x64xf32, #tpu.memory_space<vmem>>, %arg3: memref<64x64xf32, #tpu.memory_space<vmem>>, %arg4: memref<1x64xf32, #tpu.memory_space<vmem>>, %arg5: memref<64x64xf32, #tpu.memory_space<vmem>>, %arg6: memref<1x64xf32, #tpu.memory_space<vmem>>, %arg7: memref<2000x64xf32, #tpu.memory_space<vmem>>) attributes {dimension_semantics = [#tpu.dimension_semantics<arbitrary>], iteration_bounds = array<i64: 400>, scalar_prefetch = 0 : i64, scratch_operands = 0 : i64, tpu.core_type = #tpu.core_type<tc>, window_params = [{transform_indices = @transform_0, window_bounds = array<i64: 2000, 64>}, {transform_indices = @transform_1, window_bounds = array<i64: 2000, 64>}, {pipeline_mode = #tpu.pipeline_mode<synchronous>, transform_indices = @transform_2, window_bounds = array<i64: 64, 64>}, {pipeline_mode = #tpu.pipeline_mode<synchronous>, transform_indices = @transform_3, window_bounds = array<i64: 1, 64>}, {pipeline_mode = #tpu.pipeline_mode<synchronous>, transform_indices = @transform_4, window_bounds = array<i64: 64, 64>}, {pipeline_mode = #tpu.pipeline_mode<synchronous>, transform_indices = @transform_5, window_bounds = array<i64: 1, 64>}, {transform_indices = @transform_6, window_bounds = array<i64: 2000, 64>}]} {
    %get3A = arith.constant 0 : index
    %get3A_0 = arith.constant 0 : index
    %get3A_1 = vector.load %arg1[%get3A, %get3A_0] : memref<2000x64xf32, #tpu.memory_space<vmem>>, vector<2000x64xf32>
    %get3A_2 = arith.constant 0 : index
    %get3A_3 = arith.constant 0 : index
    %get3A_4 = vector.load %arg3[%get3A_2, %get3A_3] : memref<64x64xf32, #tpu.memory_space<vmem>>, vector<64x64xf32>
    %dot_general3A = arith.constant dense<0.000000e+00> : vector<2000x64xf32>
    %dot_general3A_5 = tpu.matmul %get3A_1, %get3A_4, %dot_general3A {dimension_numbers = #tpu.dot_dimension_numbers<[1], [0], [0], [1], [0, 0, 1, 1], [], []>, transpose_lhs_hint = false} : vector<2000x64xf32>, vector<64x64xf32>, vector<2000x64xf32> -> vector<2000x64xf32>
    %get3A_6 = arith.constant 0 : index
    %get3A_7 = arith.constant 0 : index
    %get3A_8 = vector.load %arg4[%get3A_6, %get3A_7] : memref<1x64xf32, #tpu.memory_space<vmem>>, vector<1x64xf32>
    %add3A = vector.broadcast %get3A_8 : vector<1x64xf32> to vector<2000x64xf32>
    %add3A_9 = arith.addf %dot_general3A_5, %add3A : vector<2000x64xf32>
    %max3A = arith.constant 0.000000e+00 : f32
    %max3A_10 = vector.broadcast %max3A : f32 to vector<2000x64xf32>
    %max3A_11 = arith.maximumf %add3A_9, %max3A_10 : vector<2000x64xf32>
    %abs3A = math.absf %add3A_9 : vector<2000x64xf32>
    %neg3A = arith.constant 0.000000e+00 : f32
    %neg3A_12 = vector.broadcast %neg3A : f32 to vector<2000x64xf32>
    %neg3A_13 = arith.subf %neg3A_12, %abs3A : vector<2000x64xf32>
    %exp3A = math.exp %neg3A_13 : vector<2000x64xf32>
    %log1p3A = math.log1p %exp3A : vector<2000x64xf32>
    %add3A_14 = arith.addf %max3A_11, %log1p3A : vector<2000x64xf32>
    %sub3A = arith.constant 0.693147182 : f32
    %sub3A_15 = vector.broadcast %sub3A : f32 to vector<2000x64xf32>
    %sub3A_16 = arith.subf %add3A_14, %sub3A_15 : vector<2000x64xf32>
    %get3A_17 = arith.constant 0 : index
    %get3A_18 = arith.constant 0 : index
    %get3A_19 = vector.load %arg5[%get3A_17, %get3A_18] : memref<64x64xf32, #tpu.memory_space<vmem>>, vector<64x64xf32>
    %dot_general3A_20 = arith.constant dense<0.000000e+00> : vector<2000x64xf32>
    %dot_general3A_21 = tpu.matmul %sub3A_16, %get3A_19, %dot_general3A_20 {dimension_numbers = #tpu.dot_dimension_numbers<[1], [0], [0], [1], [0, 0, 1, 1], [], []>, transpose_lhs_hint = false} : vector<2000x64xf32>, vector<64x64xf32>, vector<2000x64xf32> -> vector<2000x64xf32>
    %get3A_22 = arith.constant 0 : index
    %get3A_23 = arith.constant 0 : index
    %get3A_24 = vector.load %arg6[%get3A_22, %get3A_23] : memref<1x64xf32, #tpu.memory_space<vmem>>, vector<1x64xf32>
    %add3A_25 = vector.broadcast %get3A_24 : vector<1x64xf32> to vector<2000x64xf32>
    %add3A_26 = arith.addf %dot_general3A_21, %add3A_25 : vector<2000x64xf32>
    %max3A_27 = arith.constant 0.000000e+00 : f32
    %max3A_28 = vector.broadcast %max3A_27 : f32 to vector<2000x64xf32>
    %max3A_29 = arith.maximumf %add3A_26, %max3A_28 : vector<2000x64xf32>
    %abs3A_30 = math.absf %add3A_26 : vector<2000x64xf32>
    %neg3A_31 = arith.constant 0.000000e+00 : f32
    %neg3A_32 = vector.broadcast %neg3A_31 : f32 to vector<2000x64xf32>
    %neg3A_33 = arith.subf %neg3A_32, %abs3A_30 : vector<2000x64xf32>
    %exp3A_34 = math.exp %neg3A_33 : vector<2000x64xf32>
    %log1p3A_35 = math.log1p %exp3A_34 : vector<2000x64xf32>
    %add3A_36 = arith.addf %max3A_29, %log1p3A_35 : vector<2000x64xf32>
    %sub3A_37 = arith.constant 0.693147182 : f32
    %sub3A_38 = vector.broadcast %sub3A_37 : f32 to vector<2000x64xf32>
    %sub3A_39 = arith.subf %add3A_36, %sub3A_38 : vector<2000x64xf32>
    %get3A_40 = arith.constant 0 : index
    %get3A_41 = arith.constant 0 : index
    %get3A_42 = vector.load %arg2[%get3A_40, %get3A_41] : memref<2000x64xf32, #tpu.memory_space<vmem>>, vector<2000x64xf32>
    %mul3A = arith.mulf %sub3A_39, %get3A_42 : vector<2000x64xf32>
    %swap3A = arith.constant 0 : index
    %swap3A_43 = arith.constant 0 : index
    %swap3A_44 = vector.load %arg7[%swap3A, %swap3A_43] : memref<2000x64xf32, #tpu.memory_space<vmem>>, vector<2000x64xf32>
    tpu.vector_store %arg7[%swap3A, %swap3A_43], %mul3A {strides = array<i32>} : memref<2000x64xf32, #tpu.memory_space<vmem>>, vector<2000x64xf32>,
    return
  }
  func.func @transform_0(%arg0: i32) -> (i32, i32) {
    %c0_i32 = arith.constant 0 : i32
    %c0_i32_0 = arith.constant 0 : i32
    return %arg0, %c0_i32 : i32, i32
  }
  func.func @transform_1(%arg0: i32) -> (i32, i32) {
    %c0_i32 = arith.constant 0 : i32
    %c0_i32_0 = arith.constant 0 : i32
    return %arg0, %c0_i32 : i32, i32
  }
  func.func @transform_2(%arg0: i32) -> (i32, i32) {
    %c0_i32 = arith.constant 0 : i32
    %c0_i32_0 = arith.constant 0 : i32
    %c0_i32_1 = arith.constant 0 : i32
    return %c0_i32, %c0_i32_0 : i32, i32
  }
  func.func @transform_3(%arg0: i32) -> (i32, i32) {
    %c0_i32 = arith.constant 0 : i32
    %c0_i32_0 = arith.constant 0 : i32
    %c0_i32_1 = arith.constant 0 : i32
    return %c0_i32, %c0_i32_0 : i32, i32
  }
  func.func @transform_4(%arg0: i32) -> (i32, i32) {
    %c0_i32 = arith.constant 0 : i32
    %c0_i32_0 = arith.constant 0 : i32
    %c0_i32_1 = arith.constant 0 : i32
    return %c0_i32, %c0_i32_0 : i32, i32
  }
  func.func @transform_5(%arg0: i32) -> (i32, i32) {
    %c0_i32 = arith.constant 0 : i32
    %c0_i32_0 = arith.constant 0 : i32
    %c0_i32_1 = arith.constant 0 : i32
    return %c0_i32, %c0_i32_0 : i32, i32
  }
  func.func @transform_6(%arg0: i32) -> (i32, i32) {
    %c0_i32 = arith.constant 0 : i32
    %c0_i32_0 = arith.constant 0 : i32
    return %arg0, %c0_i32 : i32, i32
  }
}

module attributes {stable_mosaic.version = 14 : i64} {
  func.func @_node_mlp_body(%arg0: i32, %arg1: memref<1x128x64xf32, #tpu.memory_space<vmem>>, %arg2: memref<1x16x128xf32, #tpu.memory_space<vmem>>, %arg3: memref<64x64xf32, #tpu.memory_space<vmem>>, %arg4: memref<1x64xf32, #tpu.memory_space<vmem>>, %arg5: memref<1x128x64xf32, #tpu.memory_space<vmem>>) attributes {dimension_semantics = [#tpu.dimension_semantics<arbitrary>], iteration_bounds = array<i64: 400>, scalar_prefetch = 0 : i64, scratch_operands = 0 : i64, tpu.core_type = #tpu.core_type<tc>, window_params = [{transform_indices = @transform_0, window_bounds = array<i64: 1, 128, 64>}, {transform_indices = @transform_1, window_bounds = array<i64: 1, 16, 128>}, {pipeline_mode = #tpu.pipeline_mode<synchronous>, transform_indices = @transform_2, window_bounds = array<i64: 64, 64>}, {pipeline_mode = #tpu.pipeline_mode<synchronous>, transform_indices = @transform_3, window_bounds = array<i64: 1, 64>}, {transform_indices = @transform_4, window_bounds = array<i64: 1, 128, 64>}]} {
    %get3A = arith.constant 0 : index
    %get3A_0 = arith.constant 0 : index
    %get3A_1 = arith.constant 0 : index
    %get3A_2 = vector.load %arg2[%get3A, %get3A_0, %get3A_1] : memref<1x16x128xf32, #tpu.memory_space<vmem>>, vector<1x16x128xf32>
    %get3A_3 = vector.shape_cast %get3A_2 : vector<1x16x128xf32> to vector<16x128xf32>
    %transpose3A = tpu.transpose %get3A_3, [1, 0] : vector<16x128xf32> -> vector<128x16xf32>
    %reduce_sum3A = arith.constant dense<0.000000e+00> : vector<128xf32>
    %reduce_sum3A_4 = vector.multi_reduction <add>, %transpose3A, %reduce_sum3A [1] : vector<128x16xf32> to vector<128xf32>
    %broadcast_in_dim3A = vector.shape_cast %reduce_sum3A_4 : vector<128xf32> to vector<128x1xf32>
    %get3A_5 = arith.constant 0 : index
    %get3A_6 = arith.constant 0 : index
    %get3A_7 = arith.constant 0 : index
    %get3A_8 = vector.load %arg1[%get3A_5, %get3A_6, %get3A_7] : memref<1x128x64xf32, #tpu.memory_space<vmem>>, vector<1x128x64xf32>
    %get3A_9 = vector.shape_cast %get3A_8 : vector<1x128x64xf32> to vector<128x64xf32>
    %max3A = arith.constant 1.000000e+00 : f32
    %max3A_10 = vector.broadcast %max3A : f32 to vector<128x1xf32>
    %max3A_11 = arith.maximumf %broadcast_in_dim3A, %max3A_10 : vector<128x1xf32>
    %div3A = vector.broadcast %max3A_11 : vector<128x1xf32> to vector<128x64xf32>
    %div3A_12 = arith.divf %get3A_9, %div3A : vector<128x64xf32>
    %get3A_13 = arith.constant 0 : index
    %get3A_14 = arith.constant 0 : index
    %get3A_15 = vector.load %arg3[%get3A_13, %get3A_14] : memref<64x64xf32, #tpu.memory_space<vmem>>, vector<64x64xf32>
    %dot_general3A = arith.constant dense<0.000000e+00> : vector<128x64xf32>
    %dot_general3A_16 = tpu.matmul %div3A_12, %get3A_15, %dot_general3A {dimension_numbers = #tpu.dot_dimension_numbers<[1], [0], [0], [1], [0, 0, 1, 1], [], []>, transpose_lhs_hint = false} : vector<128x64xf32>, vector<64x64xf32>, vector<128x64xf32> -> vector<128x64xf32>
    %get3A_17 = arith.constant 0 : index
    %get3A_18 = arith.constant 0 : index
    %get3A_19 = vector.load %arg4[%get3A_17, %get3A_18] : memref<1x64xf32, #tpu.memory_space<vmem>>, vector<1x64xf32>
    %add3A = vector.broadcast %get3A_19 : vector<1x64xf32> to vector<128x64xf32>
    %add3A_20 = arith.addf %dot_general3A_16, %add3A : vector<128x64xf32>
    %max3A_21 = arith.constant 0.000000e+00 : f32
    %max3A_22 = vector.broadcast %max3A_21 : f32 to vector<128x64xf32>
    %max3A_23 = arith.maximumf %add3A_20, %max3A_22 : vector<128x64xf32>
    %abs3A = math.absf %add3A_20 : vector<128x64xf32>
    %neg3A = arith.constant 0.000000e+00 : f32
    %neg3A_24 = vector.broadcast %neg3A : f32 to vector<128x64xf32>
    %neg3A_25 = arith.subf %neg3A_24, %abs3A : vector<128x64xf32>
    %exp3A = math.exp %neg3A_25 : vector<128x64xf32>
    %log1p3A = math.log1p %exp3A : vector<128x64xf32>
    %add3A_26 = arith.addf %max3A_23, %log1p3A : vector<128x64xf32>
    %sub3A = arith.constant 0.693147182 : f32
    %sub3A_27 = vector.broadcast %sub3A : f32 to vector<128x64xf32>
    %sub3A_28 = arith.subf %add3A_26, %sub3A_27 : vector<128x64xf32>
    %swap3A = arith.constant 0 : index
    %swap3A_29 = arith.constant 0 : index
    %swap3A_30 = arith.constant 0 : index
    %swap3A_31 = vector.load %arg5[%swap3A, %swap3A_29, %swap3A_30] : memref<1x128x64xf32, #tpu.memory_space<vmem>>, vector<1x128x64xf32>
    %swap3A_32 = vector.shape_cast %swap3A_31 : vector<1x128x64xf32> to vector<128x64xf32>
    %swap3A_33 = vector.shape_cast %sub3A_28 : vector<128x64xf32> to vector<1x128x64xf32>
    tpu.vector_store %arg5[%swap3A, %swap3A_29, %swap3A_30], %swap3A_33 {strides = array<i32>} : memref<1x128x64xf32, #tpu.memory_space<vmem>>, vector<1x128x64xf32>,
    return
  }
  func.func @transform_0(%arg0: i32) -> (i32, i32, i32) {
    %jit3A = arith.constant 200 : i32
    %div3A = arith.divsi %arg0, %jit3A : i32
    %sign3A = arith.constant 0 : i32
    %sign3A_0 = arith.cmpi sgt, %arg0, %sign3A : i32
    %sign3A_1 = arith.extui %sign3A_0 : i1 to i32
    %sign3A_2 = arith.constant 0 : i32
    %sign3A_3 = arith.cmpi slt, %arg0, %sign3A_2 : i32
    %sign3A_4 = arith.extui %sign3A_3 : i1 to i32
    %sign3A_5 = arith.subi %sign3A_1, %sign3A_4 : i32
    %sign3A_6 = arith.constant 0 : i32
    %sign3A_7 = arith.cmpi sgt, %jit3A, %sign3A_6 : i32
    %sign3A_8 = arith.extui %sign3A_7 : i1 to i32
    %sign3A_9 = arith.constant 0 : i32
    %sign3A_10 = arith.cmpi slt, %jit3A, %sign3A_9 : i32
    %sign3A_11 = arith.extui %sign3A_10 : i1 to i32
    %sign3A_12 = arith.subi %sign3A_8, %sign3A_11 : i32
    %ne3A = arith.cmpi ne, %sign3A_5, %sign3A_12 : i32
    %rem3A = arith.remsi %arg0, %jit3A : i32
    %ne3A_13 = arith.constant 0 : i32
    %ne3A_14 = arith.cmpi ne, %rem3A, %ne3A_13 : i32
    %and3A = arith.andi %ne3A, %ne3A_14 : i1
    %sub3A = arith.constant 1 : i32
    %sub3A_15 = arith.subi %div3A, %sub3A : i32
    %select_n3A = arith.select %and3A, %sub3A_15, %div3A : i32
    %jit3A_16 = arith.constant 200 : i32
    %eq3A = arith.constant 0 : i32
    %eq3A_17 = arith.cmpi eq, %jit3A_16, %eq3A : i32
    %jit3A_18 = arith.constant 1 : i32
    %select_n3A_19 = arith.select %eq3A_17, %jit3A_18, %jit3A_16 : i32
    %rem3A_20 = arith.remsi %arg0, %select_n3A_19 : i32
    %ne3A_21 = arith.constant 0 : i32
    %ne3A_22 = arith.cmpi ne, %rem3A_20, %ne3A_21 : i32
    %lt3A = arith.constant 0 : i32
    %lt3A_23 = arith.cmpi slt, %rem3A_20, %lt3A : i32
    %lt3A_24 = arith.constant 0 : i32
    %lt3A_25 = arith.cmpi slt, %select_n3A_19, %lt3A_24 : i32
    %ne3A_26 = arith.xori %lt3A_23, %lt3A_25 : i1
    %and3A_27 = arith.andi %ne3A_26, %ne3A_22 : i1
    %add3A = arith.addi %rem3A_20, %select_n3A_19 : i32
    %select_n3A_28 = arith.select %and3A_27, %add3A, %rem3A_20 : i32
    %c0_i32 = arith.constant 0 : i32
    %c0_i32_29 = arith.constant 0 : i32
    return %select_n3A, %select_n3A_28, %c0_i32 : i32, i32, i32
  }
  func.func @transform_1(%arg0: i32) -> (i32, i32, i32) {
    %jit3A = arith.constant 200 : i32
    %div3A = arith.divsi %arg0, %jit3A : i32
    %sign3A = arith.constant 0 : i32
    %sign3A_0 = arith.cmpi sgt, %arg0, %sign3A : i32
    %sign3A_1 = arith.extui %sign3A_0 : i1 to i32
    %sign3A_2 = arith.constant 0 : i32
    %sign3A_3 = arith.cmpi slt, %arg0, %sign3A_2 : i32
    %sign3A_4 = arith.extui %sign3A_3 : i1 to i32
    %sign3A_5 = arith.subi %sign3A_1, %sign3A_4 : i32
    %sign3A_6 = arith.constant 0 : i32
    %sign3A_7 = arith.cmpi sgt, %jit3A, %sign3A_6 : i32
    %sign3A_8 = arith.extui %sign3A_7 : i1 to i32
    %sign3A_9 = arith.constant 0 : i32
    %sign3A_10 = arith.cmpi slt, %jit3A, %sign3A_9 : i32
    %sign3A_11 = arith.extui %sign3A_10 : i1 to i32
    %sign3A_12 = arith.subi %sign3A_8, %sign3A_11 : i32
    %ne3A = arith.cmpi ne, %sign3A_5, %sign3A_12 : i32
    %rem3A = arith.remsi %arg0, %jit3A : i32
    %ne3A_13 = arith.constant 0 : i32
    %ne3A_14 = arith.cmpi ne, %rem3A, %ne3A_13 : i32
    %and3A = arith.andi %ne3A, %ne3A_14 : i1
    %sub3A = arith.constant 1 : i32
    %sub3A_15 = arith.subi %div3A, %sub3A : i32
    %select_n3A = arith.select %and3A, %sub3A_15, %div3A : i32
    %jit3A_16 = arith.constant 200 : i32
    %eq3A = arith.constant 0 : i32
    %eq3A_17 = arith.cmpi eq, %jit3A_16, %eq3A : i32
    %jit3A_18 = arith.constant 1 : i32
    %select_n3A_19 = arith.select %eq3A_17, %jit3A_18, %jit3A_16 : i32
    %rem3A_20 = arith.remsi %arg0, %select_n3A_19 : i32
    %ne3A_21 = arith.constant 0 : i32
    %ne3A_22 = arith.cmpi ne, %rem3A_20, %ne3A_21 : i32
    %lt3A = arith.constant 0 : i32
    %lt3A_23 = arith.cmpi slt, %rem3A_20, %lt3A : i32
    %lt3A_24 = arith.constant 0 : i32
    %lt3A_25 = arith.cmpi slt, %select_n3A_19, %lt3A_24 : i32
    %ne3A_26 = arith.xori %lt3A_23, %lt3A_25 : i1
    %and3A_27 = arith.andi %ne3A_26, %ne3A_22 : i1
    %add3A = arith.addi %rem3A_20, %select_n3A_19 : i32
    %select_n3A_28 = arith.select %and3A_27, %add3A, %rem3A_20 : i32
    %c0_i32 = arith.constant 0 : i32
    %c0_i32_29 = arith.constant 0 : i32
    return %select_n3A, %c0_i32, %select_n3A_28 : i32, i32, i32
  }
  func.func @transform_2(%arg0: i32) -> (i32, i32) {
    %c0_i32 = arith.constant 0 : i32
    %c0_i32_0 = arith.constant 0 : i32
    %c0_i32_1 = arith.constant 0 : i32
    return %c0_i32, %c0_i32_0 : i32, i32
  }
  func.func @transform_3(%arg0: i32) -> (i32, i32) {
    %c0_i32 = arith.constant 0 : i32
    %c0_i32_0 = arith.constant 0 : i32
    %c0_i32_1 = arith.constant 0 : i32
    return %c0_i32, %c0_i32_0 : i32, i32
  }
  func.func @transform_4(%arg0: i32) -> (i32, i32, i32) {
    %jit3A = arith.constant 200 : i32
    %div3A = arith.divsi %arg0, %jit3A : i32
    %sign3A = arith.constant 0 : i32
    %sign3A_0 = arith.cmpi sgt, %arg0, %sign3A : i32
    %sign3A_1 = arith.extui %sign3A_0 : i1 to i32
    %sign3A_2 = arith.constant 0 : i32
    %sign3A_3 = arith.cmpi slt, %arg0, %sign3A_2 : i32
    %sign3A_4 = arith.extui %sign3A_3 : i1 to i32
    %sign3A_5 = arith.subi %sign3A_1, %sign3A_4 : i32
    %sign3A_6 = arith.constant 0 : i32
    %sign3A_7 = arith.cmpi sgt, %jit3A, %sign3A_6 : i32
    %sign3A_8 = arith.extui %sign3A_7 : i1 to i32
    %sign3A_9 = arith.constant 0 : i32
    %sign3A_10 = arith.cmpi slt, %jit3A, %sign3A_9 : i32
    %sign3A_11 = arith.extui %sign3A_10 : i1 to i32
    %sign3A_12 = arith.subi %sign3A_8, %sign3A_11 : i32
    %ne3A = arith.cmpi ne, %sign3A_5, %sign3A_12 : i32
    %rem3A = arith.remsi %arg0, %jit3A : i32
    %ne3A_13 = arith.constant 0 : i32
    %ne3A_14 = arith.cmpi ne, %rem3A, %ne3A_13 : i32
    %and3A = arith.andi %ne3A, %ne3A_14 : i1
    %sub3A = arith.constant 1 : i32
    %sub3A_15 = arith.subi %div3A, %sub3A : i32
    %select_n3A = arith.select %and3A, %sub3A_15, %div3A : i32
    %jit3A_16 = arith.constant 200 : i32
    %eq3A = arith.constant 0 : i32
    %eq3A_17 = arith.cmpi eq, %jit3A_16, %eq3A : i32
    %jit3A_18 = arith.constant 1 : i32
    %select_n3A_19 = arith.select %eq3A_17, %jit3A_18, %jit3A_16 : i32
    %rem3A_20 = arith.remsi %arg0, %select_n3A_19 : i32
    %ne3A_21 = arith.constant 0 : i32
    %ne3A_22 = arith.cmpi ne, %rem3A_20, %ne3A_21 : i32
    %lt3A = arith.constant 0 : i32
    %lt3A_23 = arith.cmpi slt, %rem3A_20, %lt3A : i32
    %lt3A_24 = arith.constant 0 : i32
    %lt3A_25 = arith.cmpi slt, %select_n3A_19, %lt3A_24 : i32
    %ne3A_26 = arith.xori %lt3A_23, %lt3A_25 : i1
    %and3A_27 = arith.andi %ne3A_26, %ne3A_22 : i1
    %add3A = arith.addi %rem3A_20, %select_n3A_19 : i32
    %select_n3A_28 = arith.select %and3A_27, %add3A, %rem3A_20 : i32
    %c0_i32 = arith.constant 0 : i32
    %c0_i32_29 = arith.constant 0 : i32
    return %select_n3A, %select_n3A_28, %c0_i32 : i32, i32, i32
  }
}

</mosaic_0001>

<sc_bundles>
// kernel: kernel.5.cloned.1.call-start
scs
__scs_entry_jumppad:
0x0: {  	(pc) =	sbr.rel $0x88, $3  }
0x1: {  	(tag) =	ssettag $0x0;
	lr =	simm.s32 $0x1  }
0x2: {  	[smem:$0x3F98] =	sst lr;
	_ =	strace $0xD0000000  }
0x3: {  	_ = 	snop  }
0x4: {  	_ = 	snop  }
0x5: {  	_ = 	snop  }
0x6: {  	_ = 	snop  }
0x7: {  	_ = 	snop  }
__scs_overlays_trampoline_lowered:
0x8: {  	[smem:$0x3FA7] =	sst s0  }
0x9: {  	[smem:$0x3FA8] =	sst s1  }
0xa: {  	[smem:$0x3FA9] =	sst s2  }
0xb: {  	[smem:$0x3FAA] =	sst s3  }
0xc: {  	[smem:$0x3FAB] =	sst s4  }
0xd: {  	[smem:$0x3FAC] =	sst s5  }
0xe: {  	[smem:$0x3FAD] =	sst s6  }
0xf: {  	[smem:$0x3FAE] =	sst s7  }
0x10: {  	[smem:$0x3FAF] =	sst s8  }
0x11: {  	[smem:$0x3FB0] =	sst s9;
	s0 =	simm.s32 @!p0 $0x0  }
0x12: {  	s1 =	sld [smem:$0x3F96];
	s0 =	simm.s32 @p0 $0x1  }
0x13: {  	[smem:$0x3FB1] =	sst s0;
	s0 =	simm.s32 @!p1 $0x0  }
0x14: {  	s2 =	sld [smem:$0x3F95];
	s0 =	simm.s32 @p1 $0x1  }
0x15: {  	[smem:$0x3FB2] =	sst s0;
	s0 =	simm.s32 @!p2 $0x0  }
0x16: {  	s3 =	sld [smem:$0x3FDB];
	s0 =	simm.s32 @p2 $0x1  }
0x17: {  	s4 =	simm.s32 $0x1BF5;
	[smem:$0x3FB4] =	sst s0  }
0x18: {  	s0 =	sld [smem:$0x3F97];
	_ =	swait.ge [sflag:s4], $0x0  }
0x19: {  	s7 =	sld [smem:$0x3F98]  }
0x1a: {  	s8 =	sadd.s32 $0xFFFFE003, lr  }
0x1b: {  	s9 =	sadd.s32 $0xFFFFFEF7, lr;
	s5 =	simm.s32 $0xFFFFFFFF;
	p2 =	slt.u32 s8, $0xFFFFF086  }
0x1c: {  	p1 =	slt.u32 s9, $0xF7A;
	s5 =	simm.s32 @!p2 $0x0  }
0x1d: {  	s5 =	simm.s32 @p1 $0x1;
	p0 =	seq.s32 s7, s2  }
0x1e: {  	s7 =	smul.u32 @!p0 $0xF7A, s2;
	p2 =	seq.s32 @!p0 s5, $0x0  }
0x1f: {  	s9 =	smul.u32 $0xF7A, s1;
	s8 =	simm.s32 @!p0 $0x1BF5;
	p2 =	por !p2, p0  }
0x20: {  	[sflag:s8] =	ssyncset.s32 @!p0 $0xFFFFF086;
	s6 =	sadd.s32 @!p0 s3, s7;
	s7 =	simm.s32 @!p0 $0x108  }
0x21: {  	s3 =	sadd.s32 s3, s9;
	s6 =	sadd.s32 @!p0 $0x88, s6;
	s7 =	simm.s32 @p2 $0x1082  }
0x22: {  	[simem:s7], [sflag:s8] =	dma.local @!p0 [hbm:s6], $0xF7A  }
0x23: {  	s9 =	sor.u32 $0xD0000000, s2;
	s6 =	simm.s32 $0x108;
	_ =	swait.ge @!p0 [sflag:s8], $0x0  }
0x24: {  	s3 =	sadd.s32 $0x88, s3;
	s6 =	simm.s32 @!p1 $0x1082;
	[sflag:s4] =	ssyncset.s32 $0xFFFFF086  }
0x25: {  	[simem:s6], [sflag:s4] =	dma.local [hbm:s3], $0xF7A  }
0x26: {  	[smem:$0x3F98] =	sst s1;
	(tag) =	ssettag s2;
	_ =	strace s9  }
0x27: {  	s1 =	sld [smem:$0x3FA8]  }
0x28: {  	s2 =	sld [smem:$0x3FA9]  }
0x29: {  	s4 =	sld [smem:$0x3FAB]  }
0x2a: {  	p0 =	seq.s32 s5, $0x0;
	s5 =	sld [smem:$0x3FAC]  }
0x2b: {  	s6 =	sld [smem:$0x3FAD]  }
0x2c: {  	s7 =	sld [smem:$0x3FAE]  }
0x2d: {  	s3 =	simm.s32 $0x108;
	s8 =	sld [smem:$0x3FAF]  }
0x2e: {  	s3 =	simm.s32 @!p0 $0x1082;
	s9 =	sld [smem:$0x3FB0]  }
0x2f: {  	lr =	sadd.s32 s0, s3;
	s0 =	sld [smem:$0x3FA7]  }
0x30: {  	s3 =	sld [smem:$0x3FAA]  }
0x31: {  	[smem:$0x3FB3] =	sst s10  }
0x32: {  	s10 =	sld [smem:$0x3FB1];
	_ =	sdelay $0x3  }
0x33: {  	p0 =	seq.s32 s10, $0x1;
	s10 =	sld [smem:$0x3FB3];
	_ =	sdelay $0x3  }
0x34: {  	[smem:$0x3FB3] =	sst s10  }
0x35: {  	s10 =	sld [smem:$0x3FB2];
	_ =	sdelay $0x3  }
0x36: {  	p1 =	seq.s32 s10, $0x1;
	s10 =	sld [smem:$0x3FB3];
	_ =	sdelay $0x3  }
0x37: {  	[smem:$0x3FB3] =	sst s10  }
0x38: {  	s10 =	sld [smem:$0x3FB4]  }
0x39: {  	_ = 	snop;
	(pc) =	sbr.ind lr, $3  }
0x3a: {  	_ = 	snop  }
0x3b: {  	_ = 	snop  }
0x3c: {  	p2 =	seq.s32 s10, $0x1;
	s10 =	sld [smem:$0x3FB3]  }
0x3d: {  	_ =	shalt  }
0x3e: {  	_ =	shalt  }
0x3f: {  	_ =	shalt  }
0x40: {  	_ =	shalt  }
0x41: {  	_ =	shalt  }
0x42: {  	_ =	shalt  }
0x43: {  	_ =	shalt  }
0x44: {  	_ =	shalt  }
0x45: {  	_ =	shalt  }
0x46: {  	_ =	shalt  }
0x47: {  	_ =	shalt  }
0x48: {  	_ =	shalt  }
0x49: {  	_ =	shalt  }
0x4a: {  	_ =	shalt  }
0x4b: {  	_ =	shalt  }
0x4c: {  	_ =	shalt  }
0x4d: {  	_ =	shalt  }
0x4e: {  	_ =	shalt  }
0x4f: {  	_ =	shalt  }
0x50: {  	_ =	shalt  }
0x51: {  	_ =	shalt  }
0x52: {  	_ =	shalt  }
0x53: {  	_ =	shalt  }
0x54: {  	_ =	shalt  }
0x55: {  	_ =	shalt  }
0x56: {  	_ =	shalt  }
0x57: {  	_ =	shalt  }
0x58: {  	_ =	shalt  }
0x59: {  	_ =	shalt  }
0x5a: {  	_ =	shalt  }
0x5b: {  	_ =	shalt  }
0x5c: {  	_ =	shalt  }
0x5d: {  	_ =	shalt  }
0x5e: {  	_ =	shalt  }
0x5f: {  	_ =	shalt  }
0x60: {  	_ =	shalt  }
0x61: {  	_ =	shalt  }
0x62: {  	_ =	shalt  }
0x63: {  	_ =	shalt  }
0x64: {  	_ =	shalt  }
0x65: {  	_ =	shalt  }
0x66: {  	_ =	shalt  }
0x67: {  	_ =	shalt  }
0x68: {  	_ =	shalt  }
0x69: {  	_ =	shalt  }
0x6a: {  	_ =	shalt  }
0x6b: {  	_ =	shalt  }
0x6c: {  	_ =	shalt  }
0x6d: {  	_ =	shalt  }
0x6e: {  	_ =	shalt  }
0x6f: {  	_ =	shalt  }
0x70: {  	_ =	shalt  }
0x71: {  	_ =	shalt  }
0x72: {  	_ =	shalt  }
0x73: {  	_ =	shalt  }
0x74: {  	_ =	shalt  }
0x75: {  	_ =	shalt  }
0x76: {  	_ =	shalt  }
0x77: {  	_ =	shalt  }
0x78: {  	_ =	shalt  }
0x79: {  	_ =	shalt  }
0x7a: {  	_ =	shalt  }
0x7b: {  	_ =	shalt  }
0x7c: {  	_ =	shalt  }
0x7d: {  	_ =	shalt  }
0x7e: {  	_ =	shalt  }
0x7f: {  	_ =	shalt  }
0x80: {  	_ =	shalt  }
0x81: {  	_ =	shalt  }
0x82: {  	_ =	shalt  }
0x83: {  	_ =	shalt  }
0x84: {  	_ =	shalt  }
0x85: {  	_ =	shalt  }
0x86: {  	_ =	shalt  }
0x87: {  	_ =	shalt  }
.Lfunc_end0:
.L_simem_size_0:
called_computation.1_lowered:
.L_overlay_start_0:
0x88: {  	s2 =	sld [smem:$0x3FD9]  }
0x89: {  	s3 =	sld [smem:$0x3FFE];
	_ =	sdelay $0x1  }
0x8a: {  	s1 =	srdreg.scid  }
0x8b: {  	s0 =	sand.u32 $0x1, s1  }
0x8c: {  	s17 =	sshll.u32 s0, $0xA;
	s2 =	sadd.s32 s3, s2  }
0x8d: {  	s2 =	sadd.s32 s2, s17  }
0x8e: {  	[smem:$0x3FBF] =	sst s2  }
0x8f: {  	_ = 	snop  }
0x90: {  	s18 =	sld [smem:$0x3FD0];
	(tm) =	ssettm $0x1  }
0x91: {  	s19 =	sld [smem:$0x3FFB];
	_ =	sdelay $0x3  }
0x92: {  	_ =	strace s19  }
0x93: {  	s2 =	sld [smem:$0x3FFC];
	_ =	sdelay $0x3  }
0x94: {  	_ =	strace s2  }
0x95: {  	s2 =	sld [smem:$0x3FFD];
	_ =	sdelay $0x3  }
0x96: {  	_ =	strace s2  }
0x97: {  	_ =	strace $0x8FFFFFFF  }
0x98: {  	s20 =	sld [smem:$0x3FDB];
	_ =	sdelay $0x1  }
0x99: {  	s4 =	simm.s32 $_scs_section_size  }
0x9a: {  	s5 =	simm.s32 $_size__tile_overlayer_lowered;
	s6 =	simm.s32 $_tile_overlayer_lowered  }
0x9b: {  	s7 =	simm.s32 $0x1BFF;
	s21 =	sshll.u32 s6, $0x1;
	s4 =	sadd.s32 s4, s20  }
0x9c: {  	s22 =	simm.s32 $0x0;
	s5 =	sshll.u32 s5, $0x1;
	s6 =	sadd.s32 s21, s4  }
0x9d: {  	[timem:s22], [sflag:s7] =	dma.local [hbm:s6], s5  }
0x9e: {  	_ =	swait.ge [sflag:s7], s5  }
0x9f: {  	s5 =	ssub.s32 $0x0, s5;
	[sflag:s7] =	ssyncset.done $0x0  }
0xa0: {  	[sflag:s7] =	ssyncadd.s32 s5;
	_ =	sdelay $0x1  }
0xa1: {  	s23 =	simm.s32 $0x1B8B  }
0xa2: {  	_ =	swait.ge [sflag:s23], $0x1  }
0xa3: {  	[sflag:s23] =	ssyncset.done $0x0  }
0xa4: {  	[sflag:s23] =	ssyncadd.s32 $0xFFFFFFFF  }
0xa5: {  	s5 =	sld [smem:$0x0]  }
0xa6: {  	s6 =	sand.u32 $0xFFFFFFFE, s1  }
0xa7: {  	p0 =	sne.s32 s1, s6  }
0xa8: {  	s6 =	sshll.u32 @p0 s6, $0xE  }
0xa9: {  	s6 =	sadd.s32 @p0 $0x11B8D, s6;
	s7 =	sshll.u32 @p0 s5, $0x11  }
0xaa: {  	s6 =	sor.u32 @p0 s7, s6  }
0xab: {  	[sflag:s6] =	ssyncadd.remote.s32 @p0 $0x1;
	_ =	sdelay $0x1  }
0xac: {  	s6 =	simm.s32 @p0 $0x1B8D  }
0xad: {  	_ =	swait.eq @p0 [sflag:s6], $0x1  }
0xae: {  	[sflag:s6] =	ssyncadd.s32 @p0 $0xFFFFFFFF  }
0xaf: {  	s7 =	sshll.u32 @!p0 s1, $0xE  }
0xb0: {  	s7 =	sor.u32 @!p0 $0x4000, s7;
	s6 =	simm.s32 @!p0 $0x1B8D  }
0xb1: {  	s5 =	sshll.u32 @!p0 s5, $0x11;
	s7 =	sadd.s32 @!p0 $0x11B8D, s7;
	_ =	swait.eq @!p0 [sflag:s6], $0x1  }
0xb2: {  	s5 =	sor.u32 @!p0 s5, s7;
	[sflag:s6] =	ssyncadd.s32 @!p0 $0xFFFFFFFF  }
0xb3: {  	s25 =	simm.s32 $0x1B8E;
	s24 =	sld [smem:$0x3FFE];
	[sflag:s5] =	ssyncadd.remote.s32 @!p0 $0x1  }
0xb4: {  	s26 =	simm.s32 $execute0_lowered;
	[smem:$0x3FD2] =	sst s25  }
0xb5: {  	s6 =	sshll.u32 s26, $0x1;
	_ =	strace $0x80000049;
	[dreg:$0x1] =	wrdreg $0xFFFFFFFF  }
0xb6: {  	s28 =	simm.s32 $_size_execute0_lowered;
	s4 =	sadd.s32 s4, s6;
	[dreg:$0x0] =	wrdreg $0x0  }
0xb7: {  	s6 =	sshll.u32 s28, $0x1;
	[dreg:$0x2] =	wrdreg s4  }
0xb8: {  	[dreg:$0x3] =	wrdreg s6  }
0xb9: {  	[dreg:$0x4] =	wrdreg $0xC0  }
0xba: {  	_ =	task [dreg:s22], $0x5FFFF  }
0xbb: {  	[dreg:$0x1] =	wrdreg $0xFFFFFFFF  }
0xbc: {  	[dreg:$0x0] =	wrdreg $0x60  }
0xbd: {  	[dreg:$0x2] =	wrdreg s24  }
0xbe: {  	[dreg:$0x3] =	wrdreg s18  }
0xbf: {  	[dreg:$0x4] =	wrdreg $0xA  }
0xc0: {  	_ =	task.clear_ibuf [dreg:s22], $0x5FFFF;
	_ =	strace $0x90000049  }
0xc1: {  	s29 =	simm.s32 $0xA;
	_ =	strace $0x8000004B  }
0xc2: {  	_ =	swait.ge [sflag:s29], $0x1  }
0xc3: {  	[sflag:s29] =	ssyncadd.s32 $0xFFFFFFFF  }
0xc4: {  	_ =	strace $0x9000004B  }
0xc5: {  	_ =	sfence  }
0xc6: {  	s30 =	sld [smem:$0x0];
	_ =	sdelay $0x2  }
0xc7: {  	s31 =	sshll.u32 s1, $0xD;
	s1 =	sshrl.u32 s1, $0x2  }
0xc8: {  	s4 =	sand.u32 $0x4000, s31;
	s1 =	sadd.s32 s1, s30  }
0xc9: {  	s0 =	sor.u32 s4, s0;
	s1 =	sshll.u32 s1, $0x11  }
0xca: {  	s0 =	sor.u32 s1, s0  }
0xcb: {  	s0 =	sadd.s32 $0x8F2B, s0  }
0xcc: {  	[sflag:s0] =	ssyncadd.remote.s32 $0x1  }
0xcd: {  	_ =	sfence.sel $0xFFFF  }
0xce: {  	[dreg:$0x0] =	wrdreg $0xFFFFFFFF;
	(pc) =	sbr.abs _section_cstart, $3  }
0xcf: {  	[dreg:$0x1] =	wrdreg $0xFFFFFFFF  }
0xd0: {  	_ =	task.clear_ibuf [dreg:s22], $0x2FFFF;
	_ =	strace $0x9FFFFFFF  }
0xd1: {  	(tm) =	ssettm $0x7FFFFFFF  }
tec
execute0_lowered:
.L_overlay_start_1:
0x0: {  	(tag) =	ssettag $0x1  }
0x1: {  	s0 =	stileid.u32;
	s3 =	rddreg [dreg:$0x0]  }
0x2: {  	s1 =	srdreg.scid;
	s6 =	rddreg [dreg:$0x1];
	s2 =	simm.s32 $0x0  }
0x3: {  	s11 =	simm.s32 $0x0;
	s4 =	smul.u32 $0x186A, s0;
	s5 =	sand.u32 $0x1, s1  }
0x4: {  	s8 =	sshrl.u32 s0, $0x3;
	s1 =	rddreg [dreg:$0x2];
	s7 =	smul.u32 $0x64000, s5  }
0x5: {  	[smem:$0x7FF] =	sst s2;
	s10 =	sshll.u32 s0, $0x7;
	s8 =	smul.u32 $0x32000, s8  }
0x6: {  	v1 =	vlaneseq.u32;
	s9 =	smul.u32 $0x61A8, s5;
	_ =	strace $0x8000004A;
	s30 =	sand.u32 $0x380, s10  }
0x7: {  	v2 =	vimm.f32 $1.000000000e+00;
	v3 =	vor.u32 $0x10, v1;
	s5 =	ssub.s32 $0x2, s5;
	s10 =	simm.s32 $0x400;
	s7 =	sadd.s32 s7, s8  }
0x8: {  	v4 =	vor.u32 $0x20, v1;
	v5 =	vor.u32 $0x30, v1;
	v6 =	vor.u32 $0x40, v1;
	s4 =	sadd.s32 s4, s3;
	s31 =	sshrl.u32 s5, $0x1;
	s7 =	sor.u32 s30, s7  }
0x9: {  	v7 =	vor.u32 $0x50, v1;
	v8 =	vor.u32 $0x60, v1;
	v9 =	vor.u32 $0x70, v1;
	s3 =	sadd.s32 $0xDC200, s3;
	s8 =	ssub.s32 s5, s31;
	s7 =	sshrl.u32 s7, $0x3  }
0xa: {  	v10 =	vor.u32 $0xC300, v1;
	v11 =	vor.u32 $0xC310, v1;
	v0 =	vmov s9;
	s4 =	sadd.s32 $0x400, s4;
	s9 =	simm.s32 $0x80;
	s5 =	sadd.s32 s6, s7  }
0xb: {  	v12 =	vor.u32 $0xC320, v1;
	v13 =	vor.u32 $0xC330, v1;
	v14 =	vor.u32 $0xC340, v1;
	s6 =	smax.u32 s8, $0x1;
	s7 =	simm.s32 $0x1;
	s8 =	simm.s32 $0xC380  }
.LBB2_1:
0xc: {  	[tilespmem:s2], [sflag:$0x1] =	stream.linear.gather [hbm4b:s4+s2], $0xC350, $0x38;
	[tilespmem:$0x12780] =	vst v63  }
0xd: {  	_ =	swait.ge [sflag:s7], $0xC350  }
0xe: {  	[sflag:s7] =	ssyncset.done $0x0  }
0xf: {  	[sflag:s7] =	ssyncadd.s32 $0xFFFF3CB0  }
0x10: {  	[tilespmem:s8], [sflag:$0x1] =	stream.linear.gather [hbm4b:s3+s2], $0x6400, $0x38;
	[tilespmem:$0x12780] =	vst v63  }
0x11: {  	_ =	swait.ge [sflag:s7], $0x6400  }
0x12: {  	[sflag:s7] =	ssyncset.done $0x0  }
0x13: {  	s12 =	simm.s32 $0x0;
	[sflag:s7] =	ssyncadd.s32 $0xFFFF9C00  }
.LBB2_2:
0x14: {  	v15 =	vmov s12  }
0x15: {  	v15 =	vshrl.u32 v15, $0x7  }
0x16: {  	v15 =	vshll.u32 v15, $0x7  }
0x17: {  	v15 =	vbroadcast v15, $0x0;
	_ =	sdelay $0x1  }
0x18: {  	v16 =	vor.u32 v1, v15;
	_ =	sdelay $0x4  }
0x19: {  	v16 =	vld.idx.msk [tilespmem:v16+s2+$0x0], $0xffff;
	_ =	sdelay $0x4  }
0x1a: {  	v17 =	vsub.s32 v16, v0;
	v16 =	vand.u32 $0xFF, v16  }
0x1b: {  	vm0 =	vlt.u32 v17, $0x61A8;
	v16 =	vadd.s32 $0x61A8, v16  }
0x1c: {  	v16 =	vsel vm0, v17, v16  }
0x1d: {  	v57 =	vor.u32 v3, v15;
	_ =	sdelay $0x3  }
0x1e: {  	[tilespmem:v16+s8+$0x0] =	vst.idx.add.f32.msk vm0, v2  }
0x1f: {  	v16 =	vld.idx.msk [tilespmem:v57+s2+$0x0], $0xffff;
	_ =	sdelay $0x4  }
0x20: {  	v17 =	vsub.s32 v16, v0;
	v16 =	vand.u32 $0xFF, v16  }
0x21: {  	vm9 =	vlt.u32 v17, $0x61A8;
	v16 =	vadd.s32 $0x61A8, v16  }
0x22: {  	v16 =	vsel vm9, v17, v16  }
0x23: {  	v58 =	vor.u32 v4, v15;
	_ =	sdelay $0x3  }
0x24: {  	[tilespmem:v16+s8+$0x0] =	vst.idx.add.f32.msk vm9, v2  }
0x25: {  	v16 =	vld.idx.msk [tilespmem:v58+s2+$0x0], $0xffff;
	_ =	sdelay $0x4  }
0x26: {  	v17 =	vsub.s32 v16, v0;
	v16 =	vand.u32 $0xFF, v16  }
0x27: {  	vm10 =	vlt.u32 v17, $0x61A8;
	v16 =	vadd.s32 $0x61A8, v16  }
0x28: {  	v16 =	vsel vm10, v17, v16  }
0x29: {  	v59 =	vor.u32 v5, v15;
	_ =	sdelay $0x3  }
0x2a: {  	[tilespmem:v16+s8+$0x0] =	vst.idx.add.f32.msk vm10, v2  }
0x2b: {  	v16 =	vld.idx.msk [tilespmem:v59+s2+$0x0], $0xffff;
	_ =	sdelay $0x4  }
0x2c: {  	v17 =	vsub.s32 v16, v0;
	v16 =	vand.u32 $0xFF, v16  }
0x2d: {  	vm11 =	vlt.u32 v17, $0x61A8;
	v16 =	vadd.s32 $0x61A8, v16  }
0x2e: {  	v16 =	vsel vm11, v17, v16  }
0x2f: {  	v60 =	vor.u32 v6, v15;
	_ =	sdelay $0x3  }
0x30: {  	[tilespmem:v16+s8+$0x0] =	vst.idx.add.f32.msk vm11, v2  }
0x31: {  	v16 =	vld.idx.msk [tilespmem:v60+s2+$0x0], $0xffff;
	_ =	sdelay $0x4  }
0x32: {  	v17 =	vsub.s32 v16, v0;
	v16 =	vand.u32 $0xFF, v16  }
0x33: {  	vm12 =	vlt.u32 v17, $0x61A8;
	v16 =	vadd.s32 $0x61A8, v16  }
0x34: {  	v16 =	vsel vm12, v17, v16  }
0x35: {  	v61 =	vor.u32 v7, v15;
	_ =	sdelay $0x3  }
0x36: {  	[tilespmem:v16+s8+$0x0] =	vst.idx.add.f32.msk vm12, v2  }
0x37: {  	v16 =	vld.idx.msk [tilespmem:v61+s2+$0x0], $0xffff;
	_ =	sdelay $0x4  }
0x38: {  	v17 =	vsub.s32 v16, v0;
	v16 =	vand.u32 $0xFF, v16  }
0x39: {  	vm13 =	vlt.u32 v17, $0x61A8;
	v16 =	vadd.s32 $0x61A8, v16  }
0x3a: {  	v16 =	vsel vm13, v17, v16  }
0x3b: {  	v62 =	vor.u32 v8, v15;
	_ =	sdelay $0x3  }
0x3c: {  	[tilespmem:v16+s8+$0x0] =	vst.idx.add.f32.msk vm13, v2  }
0x3d: {  	v16 =	vld.idx.msk [tilespmem:v62+s2+$0x0], $0xffff;
	_ =	sdelay $0x4  }
0x3e: {  	v17 =	vsub.s32 v16, v0;
	v16 =	vand.u32 $0xFF, v16  }
0x3f: {  	vm14 =	vlt.u32 v17, $0x61A8;
	v16 =	vadd.s32 $0x61A8, v16  }
0x40: {  	v16 =	vsel vm14, v17, v16  }
0x41: {  	v15 =	vor.u32 v9, v15;
	_ =	sdelay $0x3  }
0x42: {  	[tilespmem:v16+s8+$0x0] =	vst.idx.add.f32.msk vm14, v2  }
0x43: {  	v15 =	vld.idx.msk [tilespmem:v15+s2+$0x0], $0xffff;
	_ =	sdelay $0x4  }
0x44: {  	v63 =	vsub.s32 v15, v0;
	v15 =	vand.u32 $0xFF, v15  }
0x45: {  	vm15 =	vlt.u32 v63, $0x61A8;
	v15 =	vadd.s32 $0x61A8, v15  }
0x46: {  	p0 =	sne.s32 s12, $0xC280;
	v15 =	vsel vm15, v63, v15  }
.Ltmp0:
0x47: {  	_ = 	snop;
	(pc) =	sbr.rel @p0 .LBB2_2-.Ltmp0, $2  }
0x48: {  	_ =	sdelay $0x2  }
0x49: {  	s12 =	sadd.s32 $0x80, s12;
	[tilespmem:v15+s8+$0x0] =	vst.idx.add.f32.msk vm15, v2  }
0x4a: {  	_ =	sdelay $0x3  }
0x4b: {  	v15 =	vld.idx.msk [tilespmem:v10+s2+$0x0], $0xffff;
	_ =	sdelay $0x4  }
0x4c: {  	v16 =	vsub.s32 v15, v0;
	v15 =	vand.u32 $0xFF, v15  }
0x4d: {  	vm0 =	vlt.u32 v16, $0x61A8;
	v15 =	vadd.s32 $0x61A8, v15  }
0x4e: {  	v15 =	vsel vm0, v16, v15;
	_ =	sdelay $0x4  }
0x4f: {  	[tilespmem:v15+s8+$0x0] =	vst.idx.add.f32.msk vm0, v2  }
0x50: {  	v15 =	vld.idx.msk [tilespmem:v11+s2+$0x0], $0xffff;
	_ =	sdelay $0x4  }
0x51: {  	v60 =	vsub.s32 v15, v0;
	v15 =	vand.u32 $0xFF, v15  }
0x52: {  	vm12 =	vlt.u32 v60, $0x61A8;
	v15 =	vadd.s32 $0x61A8, v15  }
0x53: {  	v15 =	vsel vm12, v60, v15;
	_ =	sdelay $0x4  }
0x54: {  	[tilespmem:v15+s8+$0x0] =	vst.idx.add.f32.msk vm12, v2  }
0x55: {  	v15 =	vld.idx.msk [tilespmem:v12+s2+$0x0], $0xffff;
	_ =	sdelay $0x4  }
0x56: {  	v61 =	vsub.s32 v15, v0;
	v15 =	vand.u32 $0xFF, v15  }
0x57: {  	vm13 =	vlt.u32 v61, $0x61A8;
	v15 =	vadd.s32 $0x61A8, v15  }
0x58: {  	v15 =	vsel vm13, v61, v15;
	_ =	sdelay $0x4  }
0x59: {  	[tilespmem:v15+s8+$0x0] =	vst.idx.add.f32.msk vm13, v2  }
0x5a: {  	v15 =	vld.idx.msk [tilespmem:v13+s2+$0x0], $0xffff;
	_ =	sdelay $0x4  }
0x5b: {  	v62 =	vsub.s32 v15, v0;
	v15 =	vand.u32 $0xFF, v15  }
0x5c: {  	vm14 =	vlt.u32 v62, $0x61A8;
	v15 =	vadd.s32 $0x61A8, v15  }
0x5d: {  	v15 =	vsel vm14, v62, v15;
	_ =	sdelay $0x4  }
0x5e: {  	[tilespmem:v15+s8+$0x0] =	vst.idx.add.f32.msk vm14, v2  }
0x5f: {  	v15 =	vld.idx.msk [tilespmem:v14+s2+$0x0], $0xffff;
	_ =	sdelay $0x4  }
0x60: {  	v63 =	vsub.s32 v15, v0;
	v15 =	vand.u32 $0xFF, v15  }
0x61: {  	vm15 =	vlt.u32 v63, $0x61A8;
	v15 =	vadd.s32 $0x61A8, v15  }
0x62: {  	v15 =	vsel vm15, v63, v15;
	_ =	sdelay $0x2  }
0x63: {  	s11 =	sadd.s32 $0x1, s11  }
0x64: {  	p0 =	sne.s32 s11, s6  }
.Ltmp1:
0x65: {  	[tilespmem:v15+s8+$0x0] =	vst.idx.add.f32.msk vm15, v2;
	(pc) =	sbr.rel @p0 .LBB2_1-.Ltmp1, $4  }
0x66: {  	[hbm4b:s5+s9] =	stream.strided.scatter [tilespmem:s8], [sflag:$0x1], $0x6400, s10, s9, $0x38;
	[tilespmem:$0x12780] =	vst v63  }
0x67: {  	_ =	swait.ge [sflag:s7], $0x6400  }
0x68: {  	[sflag:s7] =	ssyncset.done $0x0  }
0x69: {  	[sflag:s7] =	ssyncadd.s32 $0xFFFF9C00  }
0x6a: {  	_ =	sfence.sel $0x180000  }
0x6b: {  	[bflag:$0x0] =	sbarrier.arrive $0xFFFF  }
0x6c: {  	p0 =	sne.s32 s0, $0x0;
	_ =	strace $0x9000004A  }
0x6d: {  	s0 =	sadd.s32 @!p0 $0x100000, s1;
	[bflag:$0x2] =	sbarrier.arrive $0xFFFF  }
0x6e: {  	[sflag:s0] =	ssyncadd.tile.s32 @!p0 $0x1;
	_ =	shalt  }
.Lfunc_end2:
_tile_overlayer_lowered:
.L_overlay_start_2:
0x6f: {  	(tag) =	ssettag $0x2  }
0x70: {  	s0 =	rddreg [dreg:$0x0];
	s2 =	stileid.u32  }
0x71: {  	s1 =	rddreg [dreg:$0x1];
	p0 =	sne.s32 s2, $0x0  }
0x72: {  	s3 =	rddreg [dreg:$0x2];
	[bflag:$0x3] =	sbarrier.arrive $0xFFFF;
	s2 =	simm.s32 @!p0 $0x1C01  }
0x73: {  	[timem:s3], [sflag:s2] =	dma.local @!p0 [hbm:s0], s1  }
0x74: {  	s0 =	simm.s32 @!p0 $0x1  }
0x75: {  	_ =	swait.ge @!p0 [sflag:s0], s1  }
0x76: {  	s1 =	ssub.s32 @!p0 $0x0, s1;
	[sflag:s0] =	ssyncset.done @!p0 $0x0  }
0x77: {  	[sflag:s0] =	ssyncadd.s32 @!p0 s1  }
0x78: {  	[bflag:$0x3] =	sbarrier.arrive $0xFFFF  }
0x79: {  	_ =	shalt  }

// kernel: scatter_offload_async_start
scs
__scs_entry_jumppad:
0x0: {  	(pc) =	sbr.rel $0x88, $3  }
0x1: {  	(tag) =	ssettag $0x0;
	lr =	simm.s32 $0x1  }
0x2: {  	[smem:$0x3F98] =	sst lr;
	_ =	strace $0xD0000000  }
0x3: {  	_ = 	snop  }
0x4: {  	_ = 	snop  }
0x5: {  	_ = 	snop  }
0x6: {  	_ = 	snop  }
0x7: {  	_ = 	snop  }
__scs_overlays_trampoline_lowered:
0x8: {  	[smem:$0x3FA7] =	sst s0  }
0x9: {  	[smem:$0x3FA8] =	sst s1  }
0xa: {  	[smem:$0x3FA9] =	sst s2  }
0xb: {  	[smem:$0x3FAA] =	sst s3  }
0xc: {  	[smem:$0x3FAB] =	sst s4  }
0xd: {  	[smem:$0x3FAC] =	sst s5  }
0xe: {  	[smem:$0x3FAD] =	sst s6  }
0xf: {  	[smem:$0x3FAE] =	sst s7  }
0x10: {  	[smem:$0x3FAF] =	sst s8  }
0x11: {  	[smem:$0x3FB0] =	sst s9;
	s0 =	simm.s32 @!p0 $0x0  }
0x12: {  	s1 =	sld [smem:$0x3F96];
	s0 =	simm.s32 @p0 $0x1  }
0x13: {  	[smem:$0x3FB1] =	sst s0;
	s0 =	simm.s32 @!p1 $0x0  }
0x14: {  	s2 =	sld [smem:$0x3F95];
	s0 =	simm.s32 @p1 $0x1  }
0x15: {  	[smem:$0x3FB2] =	sst s0;
	s0 =	simm.s32 @!p2 $0x0  }
0x16: {  	s3 =	sld [smem:$0x3FDB];
	s0 =	simm.s32 @p2 $0x1  }
0x17: {  	s4 =	simm.s32 $0x1BF5;
	[smem:$0x3FB4] =	sst s0  }
0x18: {  	s0 =	sld [smem:$0x3F97];
	_ =	swait.ge [sflag:s4], $0x0  }
0x19: {  	s7 =	sld [smem:$0x3F98]  }
0x1a: {  	s8 =	sadd.s32 $0xFFFFE003, lr  }
0x1b: {  	s9 =	sadd.s32 $0xFFFFFEF7, lr;
	s5 =	simm.s32 $0xFFFFFFFF;
	p2 =	slt.u32 s8, $0xFFFFF086  }
0x1c: {  	p1 =	slt.u32 s9, $0xF7A;
	s5 =	simm.s32 @!p2 $0x0  }
0x1d: {  	s5 =	simm.s32 @p1 $0x1;
	p0 =	seq.s32 s7, s2  }
0x1e: {  	s7 =	smul.u32 @!p0 $0xF7A, s2;
	p2 =	seq.s32 @!p0 s5, $0x0  }
0x1f: {  	s9 =	smul.u32 $0xF7A, s1;
	s8 =	simm.s32 @!p0 $0x1BF5;
	p2 =	por !p2, p0  }
0x20: {  	[sflag:s8] =	ssyncset.s32 @!p0 $0xFFFFF086;
	s6 =	sadd.s32 @!p0 s3, s7;
	s7 =	simm.s32 @!p0 $0x108  }
0x21: {  	s3 =	sadd.s32 s3, s9;
	s6 =	sadd.s32 @!p0 $0x88, s6;
	s7 =	simm.s32 @p2 $0x1082  }
0x22: {  	[simem:s7], [sflag:s8] =	dma.local @!p0 [hbm:s6], $0xF7A  }
0x23: {  	s9 =	sor.u32 $0xD0000000, s2;
	s6 =	simm.s32 $0x108;
	_ =	swait.ge @!p0 [sflag:s8], $0x0  }
0x24: {  	s3 =	sadd.s32 $0x88, s3;
	s6 =	simm.s32 @!p1 $0x1082;
	[sflag:s4] =	ssyncset.s32 $0xFFFFF086  }
0x25: {  	[simem:s6], [sflag:s4] =	dma.local [hbm:s3], $0xF7A  }
0x26: {  	[smem:$0x3F98] =	sst s1;
	(tag) =	ssettag s2;
	_ =	strace s9  }
0x27: {  	s1 =	sld [smem:$0x3FA8]  }
0x28: {  	s2 =	sld [smem:$0x3FA9]  }
0x29: {  	s4 =	sld [smem:$0x3FAB]  }
0x2a: {  	p0 =	seq.s32 s5, $0x0;
	s5 =	sld [smem:$0x3FAC]  }
0x2b: {  	s6 =	sld [smem:$0x3FAD]  }
0x2c: {  	s7 =	sld [smem:$0x3FAE]  }
0x2d: {  	s3 =	simm.s32 $0x108;
	s8 =	sld [smem:$0x3FAF]  }
0x2e: {  	s3 =	simm.s32 @!p0 $0x1082;
	s9 =	sld [smem:$0x3FB0]  }
0x2f: {  	lr =	sadd.s32 s0, s3;
	s0 =	sld [smem:$0x3FA7]  }
0x30: {  	s3 =	sld [smem:$0x3FAA]  }
0x31: {  	[smem:$0x3FB3] =	sst s10  }
0x32: {  	s10 =	sld [smem:$0x3FB1];
	_ =	sdelay $0x3  }
0x33: {  	p0 =	seq.s32 s10, $0x1;
	s10 =	sld [smem:$0x3FB3];
	_ =	sdelay $0x3  }
0x34: {  	[smem:$0x3FB3] =	sst s10  }
0x35: {  	s10 =	sld [smem:$0x3FB2];
	_ =	sdelay $0x3  }
0x36: {  	p1 =	seq.s32 s10, $0x1;
	s10 =	sld [smem:$0x3FB3];
	_ =	sdelay $0x3  }
0x37: {  	[smem:$0x3FB3] =	sst s10  }
0x38: {  	s10 =	sld [smem:$0x3FB4]  }
0x39: {  	_ = 	snop;
	(pc) =	sbr.ind lr, $3  }
0x3a: {  	_ = 	snop  }
0x3b: {  	_ = 	snop  }
0x3c: {  	p2 =	seq.s32 s10, $0x1;
	s10 =	sld [smem:$0x3FB3]  }
0x3d: {  	_ =	shalt  }
0x3e: {  	_ =	shalt  }
0x3f: {  	_ =	shalt  }
0x40: {  	_ =	shalt  }
0x41: {  	_ =	shalt  }
0x42: {  	_ =	shalt  }
0x43: {  	_ =	shalt  }
0x44: {  	_ =	shalt  }
0x45: {  	_ =	shalt  }
0x46: {  	_ =	shalt  }
0x47: {  	_ =	shalt  }
0x48: {  	_ =	shalt  }
0x49: {  	_ =	shalt  }
0x4a: {  	_ =	shalt  }
0x4b: {  	_ =	shalt  }
0x4c: {  	_ =	shalt  }
0x4d: {  	_ =	shalt  }
0x4e: {  	_ =	shalt  }
0x4f: {  	_ =	shalt  }
0x50: {  	_ =	shalt  }
0x51: {  	_ =	shalt  }
0x52: {  	_ =	shalt  }
0x53: {  	_ =	shalt  }
0x54: {  	_ =	shalt  }
0x55: {  	_ =	shalt  }
0x56: {  	_ =	shalt  }
0x57: {  	_ =	shalt  }
0x58: {  	_ =	shalt  }
0x59: {  	_ =	shalt  }
0x5a: {  	_ =	shalt  }
0x5b: {  	_ =	shalt  }
0x5c: {  	_ =	shalt  }
0x5d: {  	_ =	shalt  }
0x5e: {  	_ =	shalt  }
0x5f: {  	_ =	shalt  }
0x60: {  	_ =	shalt  }
0x61: {  	_ =	shalt  }
0x62: {  	_ =	shalt  }
0x63: {  	_ =	shalt  }
0x64: {  	_ =	shalt  }
0x65: {  	_ =	shalt  }
0x66: {  	_ =	shalt  }
0x67: {  	_ =	shalt  }
0x68: {  	_ =	shalt  }
0x69: {  	_ =	shalt  }
0x6a: {  	_ =	shalt  }
0x6b: {  	_ =	shalt  }
0x6c: {  	_ =	shalt  }
0x6d: {  	_ =	shalt  }
0x6e: {  	_ =	shalt  }
0x6f: {  	_ =	shalt  }
0x70: {  	_ =	shalt  }
0x71: {  	_ =	shalt  }
0x72: {  	_ =	shalt  }
0x73: {  	_ =	shalt  }
0x74: {  	_ =	shalt  }
0x75: {  	_ =	shalt  }
0x76: {  	_ =	shalt  }
0x77: {  	_ =	shalt  }
0x78: {  	_ =	shalt  }
0x79: {  	_ =	shalt  }
0x7a: {  	_ =	shalt  }
0x7b: {  	_ =	shalt  }
0x7c: {  	_ =	shalt  }
0x7d: {  	_ =	shalt  }
0x7e: {  	_ =	shalt  }
0x7f: {  	_ =	shalt  }
0x80: {  	_ =	shalt  }
0x81: {  	_ =	shalt  }
0x82: {  	_ =	shalt  }
0x83: {  	_ =	shalt  }
0x84: {  	_ =	shalt  }
0x85: {  	_ =	shalt  }
0x86: {  	_ =	shalt  }
0x87: {  	_ =	shalt  }
.Lfunc_end0:
.L_simem_size_0:
called_computation_lowered:
.L_overlay_start_0:
0x88: {  	s2 =	sld [smem:$0x3FD9]  }
0x89: {  	s3 =	sld [smem:$0x3FFE];
	_ =	sdelay $0x1  }
0x8a: {  	s1 =	srdreg.scid  }
0x8b: {  	s0 =	sand.u32 $0x1, s1  }
0x8c: {  	s15 =	sshll.u32 s0, $0xA;
	s2 =	sadd.s32 s3, s2  }
0x8d: {  	s2 =	sadd.s32 s2, s15  }
0x8e: {  	[smem:$0x3FBF] =	sst s2  }
0x8f: {  	_ = 	snop  }
0x90: {  	(tm) =	ssettm $0x1  }
0x91: {  	s16 =	sld [smem:$0x3FFB];
	_ =	sdelay $0x3  }
0x92: {  	_ =	strace s16  }
0x93: {  	s2 =	sld [smem:$0x3FFC];
	_ =	sdelay $0x3  }
0x94: {  	_ =	strace s2  }
0x95: {  	s2 =	sld [smem:$0x3FFD];
	_ =	sdelay $0x3  }
0x96: {  	_ =	strace s2  }
0x97: {  	_ =	strace $0x8FFFFFFF  }
0x98: {  	s17 =	sld [smem:$0x3FDB];
	_ =	sdelay $0x1  }
0x99: {  	s18 =	simm.s32 $_scs_section_size  }
0x9a: {  	s4 =	simm.s32 $_size__tile_overlayer_lowered;
	s5 =	simm.s32 $_tile_overlayer_lowered  }
0x9b: {  	s21 =	simm.s32 $0x1BFF;
	s20 =	sshll.u32 s5, $0x1;
	s2 =	sadd.s32 s18, s17  }
0x9c: {  	s6 =	simm.s32 $0x0;
	s19 =	sshll.u32 s4, $0x1;
	s4 =	sadd.s32 s20, s2  }
0x9d: {  	[timem:s6], [sflag:s21] =	dma.local [hbm:s4], s19  }
0x9e: {  	_ =	swait.ge [sflag:s21], s19  }
0x9f: {  	s3 =	ssub.s32 $0x0, s19;
	[sflag:s21] =	ssyncset.done $0x0  }
0xa0: {  	[sflag:s21] =	ssyncadd.s32 s3;
	_ =	sdelay $0x1  }
0xa1: {  	s22 =	simm.s32 $0x1B8B  }
0xa2: {  	_ =	swait.ge [sflag:s22], $0x1  }
0xa3: {  	[sflag:s22] =	ssyncset.done $0x0  }
0xa4: {  	s23 =	sld [smem:$0x3FFE];
	[sflag:s22] =	ssyncadd.s32 $0xFFFFFFFF  }
0xa5: {  	s25 =	simm.s32 $0x1B8E;
	s24 =	sld [smem:$0x0]  }
0xa6: {  	s26 =	simm.s32 $execute0_lowered;
	[smem:$0x3FD2] =	sst s25  }
0xa7: {  	s5 =	sshll.u32 s26, $0x1;
	_ =	strace $0x80000046;
	[dreg:$0x1] =	wrdreg $0xFFFFFFFF  }
0xa8: {  	s28 =	simm.s32 $_size_execute0_lowered;
	s2 =	sadd.s32 s2, s5;
	[dreg:$0x0] =	wrdreg $0x0  }
0xa9: {  	s5 =	sshll.u32 s28, $0x1;
	[dreg:$0x2] =	wrdreg s2  }
0xaa: {  	[dreg:$0x3] =	wrdreg s5  }
0xab: {  	[dreg:$0x4] =	wrdreg $0xC0  }
0xac: {  	_ =	task [dreg:s6], $0x5FFFF  }
0xad: {  	[dreg:$0x1] =	wrdreg $0xFFFFFFFF  }
0xae: {  	[dreg:$0x0] =	wrdreg $0x60  }
0xaf: {  	[dreg:$0x2] =	wrdreg s23  }
0xb0: {  	[dreg:$0x3] =	wrdreg s1  }
0xb1: {  	[dreg:$0x4] =	wrdreg s24  }
0xb2: {  	[dreg:$0x5] =	wrdreg $0x9  }
0xb3: {  	_ =	task.clear_ibuf [dreg:s6], $0x6FFFF;
	_ =	strace $0x90000046  }
0xb4: {  	s29 =	simm.s32 $0x9;
	_ =	strace $0x80000048  }
0xb5: {  	_ =	swait.ge [sflag:s29], $0x1  }
0xb6: {  	[sflag:s29] =	ssyncadd.s32 $0xFFFFFFFF  }
0xb7: {  	_ =	strace $0x90000048  }
0xb8: {  	_ =	sfence  }
0xb9: {  	s30 =	sld [smem:$0x0];
	_ =	sdelay $0x2  }
0xba: {  	s31 =	sshll.u32 s1, $0xD;
	s1 =	sshrl.u32 s1, $0x2  }
0xbb: {  	s3 =	sand.u32 $0x4000, s31;
	s1 =	sadd.s32 s1, s30  }
0xbc: {  	s0 =	sor.u32 s3, s0;
	s1 =	sshll.u32 s1, $0x11  }
0xbd: {  	s0 =	sor.u32 s1, s0  }
0xbe: {  	s0 =	sadd.s32 $0x8F2B, s0  }
0xbf: {  	[sflag:s0] =	ssyncadd.remote.s32 $0x1  }
0xc0: {  	_ =	sfence.sel $0xFFFF  }
0xc1: {  	[dreg:$0x0] =	wrdreg $0xFFFFFFFF;
	(pc) =	sbr.abs _section_cstart, $3  }
0xc2: {  	[dreg:$0x1] =	wrdreg $0xFFFFFFFF  }
0xc3: {  	_ =	task.clear_ibuf [dreg:s6], $0x2FFFF;
	_ =	strace $0x9FFFFFFF  }
0xc4: {  	(tm) =	ssettm $0x7FFFFFFF  }
0xc5: {  	_ =	shalt  }
tec
execute0_lowered:
.L_overlay_start_1:
0x0: {  	(tag) =	ssettag $0x1  }
0x1: {  	s2 =	rddreg [dreg:$0x0]  }
0x2: {  	s4 =	rddreg [dreg:$0x1];
	_ =	strace $0x80000047;
	s0 =	simm.s32 $0x1  }
0x3: {  	s3 =	simm.s32 $0x88;
	v0 =	vimm.s32 $0x0;
	[sflag:s0] =	ssyncpa.u1 $0x0  }
0x4: {  	s1 =	sadd.s32 $0x18C00, s2;
	[tilespmem:s3+$0x30] =	vst v0  }
0x5: {  	s0 =	sadd.s32 $0x1882C00, s2;
	s6 =	sadd.s32 $0x18B3C00, s2;
	[tilespmem:s3+$0x20] =	vst v0  }
0x6: {  	s2 =	sadd.s32 $0x189B400, s2;
	s7 =	sand.u32 $0x1, s4;
	s4 =	simm.s32 $0x40;
	[tilespmem:s3+$0x10] =	vst v0  }
.LBB2_1:
0x7: {  	s4 =	sadd.s32 $0x40, s4  }
0x8: {  	[tilespmem:s3+$0x0] =	vst v0;
	s3 =	sadd.s32 $0x40, s3;
	p0 =	slt.u32 s4, $0x5040  }
.Ltmp0:
0x9: {  	(pc) =	sbr.rel @p0 .LBB2_1-.Ltmp0, $4  }
0xa: {  	_ = 	snop  }
0xb: {  	[tilespmem:s3+$0x30] =	vst v0  }
0xc: {  	[tilespmem:s3+$0x20] =	vst v0  }
0xd: {  	[tilespmem:s3+$0x10] =	vst v0  }
0xe: {  	s8 =	stileid.u32  }
0xf: {  	s4 =	smul.u32 $0x4E, s8  }
0x10: {  	s5 =	smin.u32 s8, $0x2  }
0x11: {  	s4 =	sadd.s32 s5, s4  }
0x12: {  	p0 =	slt.u32 s8, $0x2;
	s12 =	smul.u32 $0x140, s4;
	s4 =	simm.s32 $0x62C0  }
0x13: {  	s4 =	simm.s32 @!p0 $0x6180  }
0x14: {  	s25 =	simm.s32 $0x2;
	s4 =	sadd.s32 s4, s12  }
0x15: {  	s28 =	simm.s32 $0x9;
	s9 =	simm.s32 $0xA;
	s14 =	smin.u32 s4, $0x61A80  }
0x16: {  	s30 =	simm.s32 $0xB;
	[dreg:$0x4] =	wrdreg s7;
	s4 =	ssub.s32 s14, s12  }
0x17: {  	s31 =	smul.u32 $0xC350, s7;
	s13 =	simm.s32 $0x1;
	p0 =	sgt.s32 s4, $0x0  }
0x18: {  	s19 =	simm.s32 $0x0;
	s20 =	simm.s32 $0xA808;
	s4 =	simm.s32 @!p0 $0x0  }
0x19: {  	s21 =	simm.s32 $0xFFFFFFFF;
	p1 =	por $0x0, $0x0;
	s26 =	smulhi.u32 $0x66666667, s4  }
0x1a: {  	[tilespmem:s3+$0x0] =	vst v0;
	s23 =	simm.s32 $0x0;
	[sflag:s25] =	ssyncpa.u1 $0x0;
	s18 =	sshll.u32 s8, $0x7  }
0x1b: {  	s0 =	sadd.s32 s31, s0;
	[dreg:$0xa] =	wrdreg s18;
	s3 =	sshrl.u32 s26, $0x7  }
0x1c: {  	v0 =	vimm.s32 $0xFFFFFFFF;
	s17 =	sadd.s32 s31, s2;
	[dreg:$0x9] =	wrdreg s0;
	s29 =	smul.u32 $0x140, s3  }
0x1d: {  	s25 =	simm.s32 $0x0;
	[tilespmem:$0xA108] =	vst v0;
	[sflag:s28] =	ssyncpa.u1 $0x0;
	[dreg:$0x8] =	wrdreg s17  }
.Ltmp1:
0x1e: {  	p0 =	sne.s32 s4, s29;
	s4 =	simm.s32 $0x1;
	(pc) =	sbr.rel .LBB2_3-.Ltmp1, $4  }
0x1f: {  	[sflag:s9] =	ssyncpa.u1 $0x0;
	[dreg:$0x5] =	wrdreg s12;
	s4 =	simm.s32 @!p0 $0x0  }
0x20: {  	[sflag:s30] =	ssyncpa.u1 $0x0;
	[dreg:$0x6] =	wrdreg s14;
	s15 =	sadd.s32 s4, s3  }
0x21: {  	s24 =	smov.u32 s12;
	s22 =	sadd.s32 $0x1, s15;
	[dreg:$0x7] =	wrdreg s15  }
0x22: {  	v0 =	vlaneseq.u32;
	s26 =	simm.s32 $0x0;
	p0 =	por $0x1, $0x1;
	[dreg:$0xb] =	wrdreg s22  }
.LBB2_22:
0x23: {  	s0 =	sshrl.u32 s3, $0x2  }
.LBB2_24:
0x24: {  	s3 =	simm.s32 $0xC  }
0x25: {  	_ =	swait.ge [sflag:s3], s0  }
0x26: {  	s31 =	ssub.s32 $0x0, s0;
	v1 =	vmov s4;
	vm0 =	veq.s32 v0, $0x0;
	[sflag:s3] =	ssyncset.done $0x0  }
0x27: {  	vm15 =	veq.s32 v0, $0x2;
	v1 =	vsel vm0, s2, v1;
	[sflag:s3] =	ssyncadd.s32 s31  }
0x28: {  	v1 =	vsel vm15, s26, v1;
	[sflag:s3] =	ssyncpa.u1 $0x1  }
0x29: {  	[tilespmem:$0xA108] =	vst v1  }
.LBB2_25:
0x2a: {  	s0 =	sadd.s32 $0x140, s24  }
0x2b: {  	s2 =	smov.u32 s12;
	p2 =	slt.s32 s0, s14  }
0x2c: {  	s2 =	smov.u32 @p2 s0;
	p2 =	sne.s32 s25, s22  }
.Ltmp2:
0x2d: {  	_ = 	snop;
	(pc) =	sbr.rel @!p2 .LBB2_26-.Ltmp2, $4  }
0x2e: {  	_ = 	snop  }
0x2f: {  	s26 =	smov.u32 s23;
	s31 =	sadd.s32 $0x1, s25;
	p0 =	por !p0, !p0  }
0x30: {  	s23 =	smov.u32 s24;
	s20 =	sadd.s32 $0x140, s20;
	s21 =	sadd.s32 $0x1, s21  }
0x31: {  	p1 =	por !p1, !p1;
	s25 =	smov.u32 s31;
	s24 =	smov.u32 s2  }
.LBB2_3:
0x32: {  	p2 =	sge.u32 s25, s15  }
0x33: {  	s0 =	smulhi.u32 @!p2 $0xAAAAAAAB, s25  }
0x34: {  	s2 =	smov.u32 s24;
	p3 =	sgt.s32 @!p2 s24, $0x61940  }
0x35: {  	s3 =	sshra.s32 @!p2 s24, $0x1F;
	p3 =	por !p3, p2;
	s0 =	sshrl.u32 @!p2 s0, $0x1  }
0x36: {  	s3 =	sand.u32 @!p2 s3, s24;
	s2 =	simm.s32 @p3 $0x61940;
	s0 =	smul.u32 @!p2 $0x3, s0  }
0x37: {  	s2 =	ssub.s32 @!p2 s2, s3  }
0x38: {  	s2 =	sadd.s32 @!p2 $0xFFF9E6C0, s2;
	s0 =	ssub.s32 @!p2 s25, s0  }
0x39: {  	s3 =	sshll.u32 @!p2 s2, $0x2;
	p3 =	sgt.s32 @!p2 s2, $0x13F;
	s0 =	smul.u32 @!p2 $0x500, s0  }
0x3a: {  	s4 =	sand.u32 @!p2 $0x7, s24;
	s2 =	ssub.s32 @!p2 $0x500, s3;
	p3 =	por !p3, p2  }
0x3b: {  	s3 =	sshrl.u32 @!p2 s24, $0x3;
	s2 =	sshrl.u32 @!p2 s2, $0x2;
	s0 =	sshrl.u32 @!p2 s0, $0x2  }
0x3c: {  	s3 =	sadd.s32 @!p2 s3, s17;
	s2 =	simm.s32 @!p3 $0x0;
	s0 =	sadd.s32 @!p2 $0xA948, s0  }
0x3d: {  	[tilespmem:s0], [sflag:$0xA] =	stream.linear.gather @!p2 [hbm4b:s3+s4], s2, $0x38;
	[tilespmem:$0x1EF88] =	vst v63  }
0x3e: {  	s0 =	sadd.s32 $0xFFFFFFFF, s25  }
0x3f: {  	p2 =	sge.u32 s0, s15  }
.Ltmp3:
0x40: {  	_ = 	snop;
	(pc) =	sbr.rel @p2 .LBB2_7-.Ltmp3, $1  }
0x41: {  	_ =	sdelay $0x3  }
0x42: {  	p2 =	sgt.s32 s23, $0x61940;
	s2 =	smov.u32 s23;
	s3 =	sshra.s32 s23, $0x1F  }
0x43: {  	s2 =	simm.s32 @!p2 $0x61940;
	s3 =	sand.u32 s3, s23  }
0x44: {  	s17 =	smulhi.u32 $0xAAAAAAAB, s21;
	s2 =	ssub.s32 s2, s3  }
0x45: {  	s0 =	sand.u32 $0x1, s0;
	s2 =	sadd.s32 $0xFFF9E6C0, s2  }
0x46: {  	s5 =	simm.s32 $0xA;
	s3 =	sshrl.u32 s17, $0x1;
	s4 =	sshll.u32 s2, $0x2  }
0x47: {  	s7 =	sshrl.u32 s23, $0x3;
	s3 =	smul.u32 $0xFFFFF100, s3;
	s4 =	ssub.s32 $0x500, s4  }
0x48: {  	s18 =	smul.u32 $0x500, s0;
	p2 =	sgt.s32 s2, $0x13F;
	s2 =	sshrl.u32 s4, $0x2  }
0x49: {  	s9 =	sand.u32 $0x7, s23;
	s3 =	sshra.s32 s3, $0x2;
	s2 =	simm.s32 @p2 $0x0  }
0x4a: {  	s0 =	sadd.s32 s3, s20;
	s4 =	sshrl.u32 s18, $0x2;
	_ =	swait.ge [sflag:s5], s2  }
0x4b: {  	s22 =	ssub.s32 $0x0, s2;
	[sflag:s5] =	ssyncset.done $0x0;
	s8 =	rddreg [dreg:$0x9]  }
0x4c: {  	s4 =	sadd.s32 $0xAD08, s4;
	[sflag:s5] =	ssyncadd.s32 s22;
	s3 =	sadd.s32 s7, s8  }
0x4d: {  	[tilespmem:s4], [sflag:$0xB] =	stream.linear.gather [hbm4b:s3+s9], s2, $0x38;
	[tilespmem:$0x1EF88] =	vst v63  }
0x4e: {  	v1 =	vld.msk [tilespmem:s0+$0x0], $0xffff;
	_ =	sdelay $0x4  }
0x4f: {  	v1 =	vshll.u32 v1, $0x4  }
0x50: {  	(v2sf) =	vpush v1, $0x0  }
0x51: {  	(v2sf) =	vpush v1, $0x1  }
0x52: {  	(v2sf) =	vpush v1, $0x2;
	_ =	sdelay $0x3  }
0x53: {  	(v2sf) =	vpush v1, $0x3;
	_ =	sdelay $0x1  }
0x54: {  	(v2sf) =	vpush v1, $0x4  }
0x55: {  	s2 =	simm.s32 $0x1;
	(v2sf) =	vpush v1, $0x5  }
0x56: {  	s2 =	simm.s32 @!p0 $0x0  }
0x57: {  	s2 =	smul.u32 $0x28000, s2;
	(v2sf) =	vpush v1, $0x6;
	_ =	sdelay $0x1  }
0x58: {  	s2 =	sshrl.u32 s2, $0x2  }
0x59: {  	s28 =	sadd.s32 $0xB708, s2  }
0x5a: {  	s12 =	sadd.s32 $0xFFFFF880, s28;
	s17 =	sadd.s32 $0xFFFFF900, s28;
	s10 =	spop (v2sf);
	(v2sf) =	vpush v1, $0x7  }
0x5b: {  	s18 =	sadd.s32 $0xFFFFF980, s28;
	s11 =	sand.u32 $0x1FFFFFF0, s10;
	s14 =	spop (v2sf)  }
0x5c: {  	(v2sf) =	vpush v1, $0x8;
	s2 =	sadd.s32 s6, s11;
	s15 =	sand.u32 $0x1FFFFFF0, s14;
	s16 =	spop (v2sf)  }
0x5d: {  	[tilespmem:s12], [sflag:$0x9] =	stream.linear.gather [hbm4b:s2+s19], $0x40, $0x38;
	[tilespmem:$0x1EF88] =	vst v63  }
0x5e: {  	s5 =	sadd.s32 $0xFFFFFA00, s28;
	s2 =	sadd.s32 s6, s15;
	s3 =	sand.u32 $0x1FFFFFF0, s16  }
0x5f: {  	(v2sf) =	vpush v1, $0x9;
	[tilespmem:s17], [sflag:$0x9] =	stream.linear.gather [hbm4b:s2+s19], $0x40, $0x38;
	[tilespmem:$0x1EF88] =	vst v63  }
0x60: {  	s7 =	sadd.s32 $0xFFFFFA80, s28;
	s22 =	spop (v2sf);
	s3 =	sadd.s32 s6, s3  }
0x61: {  	(v2sf) =	vpush v1, $0xA;
	[tilespmem:s18], [sflag:$0x9] =	stream.linear.gather [hbm4b:s3+s19], $0x40, $0x38;
	[tilespmem:$0x1EF88] =	vst v63  }
0x62: {  	s11 =	sadd.s32 $0xFFFFFB00, s28;
	s4 =	spop (v2sf);
	(v2sf) =	vpush v1, $0xB;
	s3 =	sand.u32 $0x1FFFFFF0, s22  }
0x63: {  	s8 =	spop (v2sf);
	s2 =	sadd.s32 s6, s3;
	s3 =	sand.u32 $0x1FFFFFF0, s4  }
0x64: {  	(v2sf) =	vpush v1, $0xC;
	[tilespmem:s5], [sflag:$0x9] =	stream.linear.gather [hbm4b:s2+s19], $0x40, $0x38;
	[tilespmem:$0x1EF88] =	vst v63  }
0x65: {  	s9 =	sand.u32 $0x1FFFFFF0, s8;
	s10 =	spop (v2sf);
	s3 =	sadd.s32 s6, s3  }
0x66: {  	(v2sf) =	vpush v1, $0xD;
	[tilespmem:s7], [sflag:$0x9] =	stream.linear.gather [hbm4b:s3+s19], $0x40, $0x38;
	[tilespmem:$0x1EF88] =	vst v63  }
0x67: {  	s12 =	sadd.s32 $0xFFFFFB80, s28;
	s2 =	sadd.s32 s6, s9;
	s3 =	sand.u32 $0x1FFFFFF0, s10  }
0x68: {  	[tilespmem:s11], [sflag:$0x9] =	stream.linear.gather [hbm4b:s2+s19], $0x40, $0x38;
	[tilespmem:$0x1EF88] =	vst v63  }
0x69: {  	s17 =	sadd.s32 $0xFFFFFC00, s28;
	s3 =	sadd.s32 s6, s3;
	s14 =	spop (v2sf)  }
0x6a: {  	[tilespmem:s12], [sflag:$0x9] =	stream.linear.gather [hbm4b:s3+s19], $0x40, $0x38;
	(v2sf) =	vpush v1, $0xE;
	[tilespmem:$0x1EF88] =	vst v63  }
0x6b: {  	s18 =	sadd.s32 $0xFFFFFC80, s28;
	s15 =	sand.u32 $0x1FFFFFF0, s14;
	s16 =	spop (v2sf)  }
0x6c: {  	s5 =	sadd.s32 $0xFFFFFD00, s28;
	(v2sf) =	vpush v1, $0xF;
	s2 =	sadd.s32 s6, s15;
	s3 =	sand.u32 $0x1FFFFFF0, s16  }
0x6d: {  	[tilespmem:s17], [sflag:$0x9] =	stream.linear.gather [hbm4b:s2+s19], $0x40, $0x38;
	[tilespmem:$0x1EF88] =	vst v63  }
0x6e: {  	s7 =	sadd.s32 $0xFFFFFD80, s28;
	s22 =	spop (v2sf);
	s3 =	sadd.s32 s6, s3  }
0x6f: {  	[tilespmem:s18], [sflag:$0x9] =	stream.linear.gather [hbm4b:s3+s19], $0x40, $0x38;
	[tilespmem:$0x1EF88] =	vst v63  }
0x70: {  	s11 =	sadd.s32 $0xFFFFFE00, s28;
	s4 =	spop (v2sf);
	s3 =	sand.u32 $0x1FFFFFF0, s22  }
0x71: {  	s8 =	spop (v2sf);
	s2 =	sadd.s32 s6, s3;
	s3 =	sand.u32 $0x1FFFFFF0, s4  }
0x72: {  	[tilespmem:s5], [sflag:$0x9] =	stream.linear.gather [hbm4b:s2+s19], $0x40, $0x38;
	[tilespmem:$0x1EF88] =	vst v63  }
0x73: {  	s9 =	sand.u32 $0x1FFFFFF0, s8;
	s10 =	spop (v2sf);
	s3 =	sadd.s32 s6, s3  }
0x74: {  	[tilespmem:s7], [sflag:$0x9] =	stream.linear.gather [hbm4b:s3+s19], $0x40, $0x38;
	[tilespmem:$0x1EF88] =	vst v63  }
0x75: {  	s14 =	spop (v2sf);
	s2 =	sadd.s32 s6, s9;
	s3 =	sand.u32 $0x1FFFFFF0, s10  }
0x76: {  	[tilespmem:s11], [sflag:$0x9] =	stream.linear.gather [hbm4b:s2+s19], $0x40, $0x38;
	[tilespmem:$0x1EF88] =	vst v63  }
0x77: {  	s12 =	sadd.s32 $0xFFFFFE80, s28;
	s15 =	sand.u32 $0x1FFFFFF0, s14;
	s3 =	sadd.s32 s6, s3  }
0x78: {  	[tilespmem:s12], [sflag:$0x9] =	stream.linear.gather [hbm4b:s3+s19], $0x40, $0x38;
	[tilespmem:$0x1EF88] =	vst v63  }
0x79: {  	s17 =	sadd.s32 $0xFFFFFF00, s28;
	s2 =	sadd.s32 s6, s15;
	s16 =	spop (v2sf)  }
0x7a: {  	[tilespmem:s17], [sflag:$0x9] =	stream.linear.gather [hbm4b:s2+s19], $0x40, $0x38;
	[tilespmem:$0x1EF88] =	vst v63  }
0x7b: {  	s29 =	simm.s32 $0x0;
	s3 =	sand.u32 $0x1FFFFFF0, s16;
	s18 =	spop (v2sf)  }
0x7c: {  	s22 =	sadd.s32 $0xFFFFFF80, s28;
	s3 =	sadd.s32 s6, s3;
	s2 =	sand.u32 $0x1FFFFFF0, s18  }
0x7d: {  	[tilespmem:s22], [sflag:$0x9] =	stream.linear.gather [hbm4b:s3+s19], $0x40, $0x38;
	[tilespmem:$0x1EF88] =	vst v63  }
0x7e: {  	s31 =	sadd.s32 $0x10, s0;
	s30 =	sadd.s32 $0x800, s28;
	s2 =	sadd.s32 s6, s2  }
.LBB2_5:
0x7f: {  	[tilespmem:s28], [sflag:$0x9] =	stream.linear.gather [hbm4b:s2+s19], $0x40, $0x38;
	[tilespmem:$0x1EF88] =	vst v63  }
0x80: {  	s29 =	sadd.s32 $0x10, s29;
	s28 =	smov.u32 s30  }
0x81: {  	p2 =	slt.u32 s29, $0x130;
	v1 =	vld.msk [tilespmem:s31+$0x0], $0xffff;
	_ =	sdelay $0x4  }
0x82: {  	v1 =	vshll.u32 v1, $0x4  }
0x83: {  	(v2sf) =	vpush v1, $0x0  }
0x84: {  	(v2sf) =	vpush v1, $0x1  }
0x85: {  	(v2sf) =	vpush v1, $0x2;
	_ =	sdelay $0x1  }
0x86: {  	(v2sf) =	vpush v1, $0x3;
	_ =	sdelay $0x1  }
0x87: {  	(v2sf) =	vpush v1, $0x4;
	_ =	sdelay $0x1  }
0x88: {  	(v2sf) =	vpush v1, $0x5;
	_ =	sdelay $0x1  }
0x89: {  	(v2sf) =	vpush v1, $0x6  }
0x8a: {  	s4 =	sadd.s32 $0xFFFFFE80, s30;
	s0 =	sadd.s32 $0xFFFFFF00, s30  }
0x8b: {  	s3 =	sadd.s32 $0xFFFFFD00, s30;
	s2 =	sadd.s32 $0xFFFFFD80, s30;
	s5 =	sadd.s32 $0xFFFFFE00, s30;
	(v2sf) =	vpush v1, $0x7  }
0x8c: {  	s10 =	sadd.s32 $0xFFFFFB80, s30;
	s9 =	sadd.s32 $0xFFFFFC00, s30;
	s16 =	sadd.s32 $0xFFFFFC80, s30  }
0x8d: {  	s11 =	sadd.s32 $0xFFFFFA00, s30;
	s12 =	sadd.s32 $0xFFFFFA80, s30;
	s15 =	sadd.s32 $0xFFFFFB00, s30;
	(v2sf) =	vpush v1, $0x8  }
0x8e: {  	s18 =	sadd.s32 $0xFFFFF900, s30;
	s7 =	sadd.s32 $0xFFFFF980, s30;
	s22 =	spop (v2sf)  }
0x8f: {  	s8 =	sadd.s32 $0xFFFFF880, s30;
	s22 =	sand.u32 $0x1FFFFFF0, s22;
	s14 =	spop (v2sf);
	(v2sf) =	vpush v1, $0x9  }
0x90: {  	s22 =	sadd.s32 s6, s22;
	s14 =	sand.u32 $0x1FFFFFF0, s14;
	s17 =	spop (v2sf)  }
0x91: {  	[tilespmem:s8], [sflag:$0x9] =	stream.linear.gather [hbm4b:s22+s19], $0x40, $0x38;
	(v2sf) =	vpush v1, $0xA;
	[tilespmem:$0x1EF88] =	vst v63  }
0x92: {  	s8 =	sadd.s32 s6, s14;
	s14 =	sand.u32 $0x1FFFFFF0, s17;
	s17 =	spop (v2sf)  }
0x93: {  	[tilespmem:s18], [sflag:$0x9] =	stream.linear.gather [hbm4b:s8+s19], $0x40, $0x38;
	(v2sf) =	vpush v1, $0xB;
	[tilespmem:$0x1EF88] =	vst v63  }
0x94: {  	s8 =	sadd.s32 s6, s14;
	s14 =	sand.u32 $0x1FFFFFF0, s17;
	s17 =	spop (v2sf)  }
0x95: {  	[tilespmem:s7], [sflag:$0x9] =	stream.linear.gather [hbm4b:s8+s19], $0x40, $0x38;
	(v2sf) =	vpush v1, $0xC;
	[tilespmem:$0x1EF88] =	vst v63  }
0x96: {  	s7 =	sadd.s32 s6, s14;
	s8 =	sand.u32 $0x1FFFFFF0, s17;
	s14 =	spop (v2sf)  }
0x97: {  	[tilespmem:s11], [sflag:$0x9] =	stream.linear.gather [hbm4b:s7+s19], $0x40, $0x38;
	(v2sf) =	vpush v1, $0xD;
	[tilespmem:$0x1EF88] =	vst v63  }
0x98: {  	s7 =	sadd.s32 s6, s8;
	s8 =	sand.u32 $0x1FFFFFF0, s14;
	s11 =	spop (v2sf)  }
0x99: {  	[tilespmem:s12], [sflag:$0x9] =	stream.linear.gather [hbm4b:s7+s19], $0x40, $0x38;
	(v2sf) =	vpush v1, $0xE;
	[tilespmem:$0x1EF88] =	vst v63  }
0x9a: {  	s7 =	sadd.s32 s6, s8;
	s8 =	sand.u32 $0x1FFFFFF0, s11;
	s11 =	spop (v2sf)  }
0x9b: {  	[tilespmem:s15], [sflag:$0x9] =	stream.linear.gather [hbm4b:s7+s19], $0x40, $0x38;
	(v2sf) =	vpush v1, $0xF;
	[tilespmem:$0x1EF88] =	vst v63  }
0x9c: {  	s7 =	sadd.s32 s6, s8;
	s8 =	sand.u32 $0x1FFFFFF0, s11;
	s11 =	spop (v2sf)  }
0x9d: {  	[tilespmem:s10], [sflag:$0x9] =	stream.linear.gather [hbm4b:s7+s19], $0x40, $0x38;
	[tilespmem:$0x1EF88] =	vst v63  }
0x9e: {  	s7 =	sadd.s32 s6, s8;
	s8 =	sand.u32 $0x1FFFFFF0, s11;
	s10 =	spop (v2sf)  }
0x9f: {  	[tilespmem:s9], [sflag:$0x9] =	stream.linear.gather [hbm4b:s7+s19], $0x40, $0x38;
	[tilespmem:$0x1EF88] =	vst v63  }
0xa0: {  	s7 =	sadd.s32 s6, s8;
	s8 =	sand.u32 $0x1FFFFFF0, s10;
	s9 =	spop (v2sf)  }
0xa1: {  	[tilespmem:s16], [sflag:$0x9] =	stream.linear.gather [hbm4b:s7+s19], $0x40, $0x38;
	[tilespmem:$0x1EF88] =	vst v63  }
0xa2: {  	s7 =	sadd.s32 s6, s8;
	s8 =	sand.u32 $0x1FFFFFF0, s9;
	s9 =	spop (v2sf)  }
0xa3: {  	[tilespmem:s3], [sflag:$0x9] =	stream.linear.gather [hbm4b:s7+s19], $0x40, $0x38;
	[tilespmem:$0x1EF88] =	vst v63  }
0xa4: {  	s3 =	sadd.s32 s6, s8;
	s7 =	sand.u32 $0x1FFFFFF0, s9;
	s8 =	spop (v2sf)  }
0xa5: {  	[tilespmem:s2], [sflag:$0x9] =	stream.linear.gather [hbm4b:s3+s19], $0x40, $0x38;
	[tilespmem:$0x1EF88] =	vst v63  }
0xa6: {  	s2 =	sadd.s32 s6, s7;
	s3 =	sand.u32 $0x1FFFFFF0, s8;
	s7 =	spop (v2sf)  }
0xa7: {  	[tilespmem:s5], [sflag:$0x9] =	stream.linear.gather [hbm4b:s2+s19], $0x40, $0x38;
	[tilespmem:$0x1EF88] =	vst v63  }
0xa8: {  	s2 =	sadd.s32 s6, s3;
	s3 =	sand.u32 $0x1FFFFFF0, s7;
	s5 =	spop (v2sf)  }
0xa9: {  	[tilespmem:s4], [sflag:$0x9] =	stream.linear.gather [hbm4b:s2+s19], $0x40, $0x38;
	[tilespmem:$0x1EF88] =	vst v63  }
0xaa: {  	s2 =	sadd.s32 s6, s3  }
.Ltmp4:
0xab: {  	s3 =	sand.u32 $0x1FFFFFF0, s5;
	s4 =	spop (v2sf);
	(pc) =	sbr.rel @p2 .LBB2_5-.Ltmp4, $4  }
0xac: {  	[tilespmem:s0], [sflag:$0x9] =	stream.linear.gather [hbm4b:s2+s19], $0x40, $0x38;
	[tilespmem:$0x1EF88] =	vst v63  }
0xad: {  	s0 =	sadd.s32 s6, s3;
	s2 =	sadd.s32 $0xFFFFFF80, s30;
	s3 =	sand.u32 $0x1FFFFFF0, s4  }
0xae: {  	[tilespmem:s2], [sflag:$0x9] =	stream.linear.gather [hbm4b:s0+s19], $0x40, $0x38;
	[tilespmem:$0x1EF88] =	vst v63  }
0xaf: {  	s31 =	sadd.s32 $0x10, s31;
	s30 =	sadd.s32 $0x800, s30;
	s2 =	sadd.s32 s6, s3  }
0xb0: {  	[tilespmem:s28], [sflag:$0x9] =	stream.linear.gather [hbm4b:s2+s19], $0x40, $0x38;
	[tilespmem:$0x1EF88] =	vst v63  }
0xb1: {  	s12 =	rddreg [dreg:$0x5]  }
0xb2: {  	s14 =	rddreg [dreg:$0x6]  }
0xb3: {  	s15 =	rddreg [dreg:$0x7]  }
0xb4: {  	s17 =	rddreg [dreg:$0x8]  }
0xb5: {  	s18 =	rddreg [dreg:$0xa]  }
0xb6: {  	s22 =	rddreg [dreg:$0xb]  }
.LBB2_7:
0xb7: {  	p2 =	slt.u32 s25, $0x2  }
.Ltmp5:
0xb8: {  	_ = 	snop;
	(pc) =	sbr.rel @p2 .LBB2_25-.Ltmp5, $1  }
0xb9: {  	_ =	sdelay $0x3  }
0xba: {  	p2 =	sgt.s32 s26, $0x61940;
	s0 =	smov.u32 s26;
	s2 =	sshra.s32 s26, $0x1F  }
0xbb: {  	s0 =	simm.s32 @!p2 $0x61940;
	s2 =	sand.u32 s2, s26  }
0xbc: {  	s0 =	ssub.s32 s0, s2  }
0xbd: {  	s0 =	sadd.s32 $0xFFF9E6C0, s0  }
0xbe: {  	s3 =	simm.s32 $0x9;
	s29 =	sshll.u32 s0, $0x2  }
0xbf: {  	_ =	swait.ge [sflag:s3], $0x5000;
	s2 =	ssub.s32 $0x500, s29  }
0xc0: {  	[sflag:s3] =	ssyncset.done $0x0;
	p2 =	sgt.s32 s0, $0x13F;
	s0 =	sshrl.u32 s2, $0x2  }
0xc1: {  	s30 =	simm.s32 $0xB;
	[sflag:s3] =	ssyncadd.s32 $0xFFFFB000;
	s0 =	simm.s32 @p2 $0x0  }
0xc2: {  	_ =	swait.ge [sflag:s30], s0  }
0xc3: {  	s0 =	ssub.s32 $0x0, s0;
	[sflag:s30] =	ssyncset.done $0x0  }
0xc4: {  	[sflag:s30] =	ssyncadd.s32 s0  }
0xc5: {  	v1 =	vld [tilespmem:$0xA108];
	_ =	sdelay $0x4  }
0xc6: {  	(v2sf) =	vpush v1, $0x0  }
0xc7: {  	(v2sf) =	vpush v1, $0x1  }
0xc8: {  	(v2sf) =	vpush v1, $0x2;
	_ =	sdelay $0x3  }
0xc9: {  	s0 =	sadd.s32 $0x140, s26  }
0xca: {  	s4 =	ssub.s32 $0xC3500, s26;
	p2 =	slt.s32 s14, s0  }
0xcb: {  	s0 =	smov.u32 @p2 s14;
	p2 =	sgt.s32 s4, $0x0  }
0xcc: {  	s0 =	ssub.s32 s0, s26;
	s4 =	simm.s32 @!p2 $0x0  }
0xcd: {  	p2 =	slt.s32 s4, s0  }
0xce: {  	s0 =	smov.u32 @p2 s4  }
0xcf: {  	s2 =	simm.s32 $0x1;
	p2 =	slt.s32 s0, $0x1  }
.Ltmp6:
0xd0: {  	s2 =	simm.s32 @!p1 $0x0;
	(pc) =	sbr.rel @p2 .LBB2_12-.Ltmp6, $4  }
0xd1: {  	s7 =	smul.u32 $0x500, s2  }
0xd2: {  	s3 =	spop (v2sf)  }
0xd3: {  	s31 =	sshrl.u32 s7, $0x2;
	s5 =	spop (v2sf)  }
0xd4: {  	s28 =	sadd.s32 $0xAD08, s31;
	s26 =	spop (v2sf)  }
0xd5: {  	s4 =	smin.u32 s0, $0x10  }
0xd6: {  	v1 =	vmov s4  }
0xd7: {  	p3 =	sgt.s32 s0, $0x10;
	vm1 =	vgt.u32 v1, v0  }
.Ltmp7:
0xd8: {  	_ = 	snop;
	(pc) =	sbr.rel @!p3 .LBB2_11-.Ltmp7, $2  }
0xd9: {  	_ =	sdelay $0x2  }
0xda: {  	s9 =	simm.s32 $0x10;
	s10 =	sadd.s32 $0xFFFFFFF0, s0;
	s4 =	smov.u32 s28;
	vm0 =	vmmov vm1  }
.LBB2_10:
0xdb: {  	s7 =	smin.u32 s10, $0x10;
	s9 =	sadd.s32 $0x10, s9;
	v1 =	vld.msk [tilespmem:s4+$0x0 ss:$0x1], vm1  }
0xdc: {  	v2 =	vmov s7;
	p3 =	slt.s32 s9, s0  }
0xdd: {  	vm1 =	vgt.u32 v2, v0  }
.Ltmp8:
0xde: {  	(pc) =	sbr.rel @p3 .LBB2_10-.Ltmp8, $3  }
0xdf: {  	_ =	sdelay $0x1  }
0xe0: {  	v1 =	vshll.u32 v1, $0x4  }
0xe1: {  	s10 =	sadd.s32 $0xFFFFFFF0, s10;
	[tilespmem:s4+$0x0] =	vst.msk vm0, v1;
	s4 =	sadd.s32 $0x10, s4;
	vm0 =	vmmov vm1  }
.LBB2_11:
0xe2: {  	_ =	sdelay $0x4  }
0xe3: {  	v1 =	vld.msk [tilespmem:s4+$0x0 ss:$0x1], vm1;
	_ =	sdelay $0x4  }
0xe4: {  	v1 =	vshll.u32 v1, $0x4  }
0xe5: {  	[tilespmem:s4+$0x0] =	vst.msk vm0, v1  }
.LBB2_12:
0xe6: {  	s4 =	sand.u32 $0x1, s25  }
0xe7: {  	s4 =	smul.u32 $0x140, s4  }
0xe8: {  	p3 =	sne.s32 s5, $0xFFFFFFFF  }
0xe9: {  	v1 =	vld.msk @!p3 [tilespmem:s4+$0xAD08], $0x1;
	_ =	sdelay $0x4  }
0xea: {  	(v2sf) =	vpush @!p3 v1, $0x0;
	_ =	sdelay $0xc  }
.Ltmp9:
0xeb: {  	_ = 	snop;
	(pc) =	sbr.rel @p2 .LBB2_23-.Ltmp9, $4  }
0xec: {  	_ = 	snop  }
0xed: {  	s29 =	spop @!p3 (v2sf)  }
0xee: {  	s31 =	simm.s32 $0xC;
	s26 =	simm.s32 @!p3 $0x0;
	s4 =	smov.u32 s29  }
0xef: {  	[sflag:s31] =	ssyncpa.u1 $0x0;
	s29 =	smov.u32 @p3 s3;
	s4 =	smov.u32 @p3 s5  }
0xf0: {  	v1 =	vld.msk [tilespmem:s28+$0x0], $0x1;
	_ =	sdelay $0x4  }
0xf1: {  	(v2sf) =	vpush v1, $0x0;
	_ =	sdelay $0xe  }
0xf2: {  	s2 =	smul.u32 $0x28000, s2;
	s5 =	spop (v2sf)  }
0xf3: {  	s31 =	ssub.s32 $0x0, s0;
	p2 =	seq.s32 s29, s5  }
0xf4: {  	s3 =	smov.u32 s29;
	s2 =	sshrl.u32 s2, $0x2;
	p3 =	sgt.s32 @!p2 s29, $0x0  }
0xf5: {  	s30 =	sadd.s32 $0xAFA8, s2;
	s2 =	sadd.s32 $0x1, s31;
	p3 =	por !p3, p2  }
0xf6: {  	s3 =	simm.s32 @p3 $0x0;
	p3 =	seq.s32 s2, $0x0  }
.Ltmp10:
0xf7: {  	_ = 	snop;
	(pc) =	sbr.rel @p3 .LBB2_15-.Ltmp10, $4  }
0xf8: {  	_ = 	snop  }
0xf9: {  	s0 =	simm.s32 $0x0;
	s9 =	simm.s32 @!p2 $0x1;
	s3 =	smin.u32 @!p2 s3, $0xC34F8  }
0xfa: {  	s10 =	simm.s32 @!p2 $0x50C8;
	s9 =	smov.u32 @p2 s0;
	s7 =	sand.u32 @!p2 $0xFFFF8, s3  }
0xfb: {  	s16 =	sand.u32 @!p2 $0x7, s3;
	s3 =	sadd.s32 $0x1, s28;
	s11 =	sadd.s32 @!p2 s1, s7  }
.LBB2_14:
0xfc: {  	s7 =	smov.u32 s9  }
0xfd: {  	[tilespmem:s10], [sflag:$0x2] =	stream.linear.gather @!p2 [hbm4b:s11+s16], $0x40, $0x38;
	[tilespmem:$0x1EF88] =	vst v63  }
0xfe: {  	s2 =	sadd.s32 $0x1, s2;
	s8 =	smov.u32 s5;
	v1 =	vld.msk [tilespmem:s3+$0x0], $0x1  }
0xff: {  	p3 =	seq.s32 s2, $0x0;
	_ =	sdelay $0x3  }
0x100: {  	(v2sf) =	vpush v1, $0x0;
	_ =	sdelay $0xe  }
0x101: {  	s5 =	spop (v2sf)  }
0x102: {  	p2 =	seq.s32 s8, s5  }
0x103: {  	p4 =	sgt.s32 @!p2 s8, $0x0;
	s10 =	sshll.u32 @!p2 s9, $0x8;
	s9 =	sadd.s32 @!p2 $0x1, s9  }
.Ltmp11:
0x104: {  	p4 =	por !p4, p2;
	s10 =	sshra.s32 @!p2 s10, $0x2;
	(pc) =	sbr.rel @!p3 .LBB2_14-.Ltmp11, $4  }
0x105: {  	s9 =	smov.u32 @p2 s7;
	s8 =	simm.s32 @p4 $0x0;
	s10 =	sadd.s32 @!p2 $0x50C8, s10  }
0x106: {  	s7 =	smin.u32 @!p2 s8, $0xC34F8  }
0x107: {  	s8 =	sand.u32 @!p2 $0xFFFF8, s7;
	s16 =	sand.u32 @!p2 $0x7, s7  }
0x108: {  	s3 =	sadd.s32 $0x1, s3;
	s11 =	sadd.s32 @!p2 s1, s8  }
.LBB2_15:
0x109: {  	[tilespmem:s10], [sflag:$0x2] =	stream.linear.gather @!p2 [hbm4b:s11+s16], $0x40, $0x38;
	[tilespmem:$0x1EF88] =	vst v63  }
.Ltmp12:
0x10a: {  	s2 =	sshll.u32 s9, $0x6;
	(pc) =	sbr.rel .LBB2_16-.Ltmp12, $4  }
0x10b: {  	s3 =	simm.s32 $0x2;
	s2 =	sand.u32 $0x3FFFFFC0, s2  }
0x10c: {  	_ =	swait.ge [sflag:s3], s2  }
0x10d: {  	s2 =	ssub.s32 $0x0, s2;
	[sflag:s3] =	ssyncset.done $0x0  }
0x10e: {  	[sflag:s3] =	ssyncadd.s32 s2;
	s3 =	simm.s32 $0x0  }
.LBB2_17:
0x10f: {  	v1 =	vld [tilespmem:s30+$0xFFFFFFE0];
	_ =	sdelay $0x4  }
0x110: {  	[tilespmem:s5+$0x88] =	vst.add.f32.msk $0xffff, v1  }
0x111: {  	v1 =	vld [tilespmem:s30+$0xFFFFFFF0];
	_ =	sdelay $0x4  }
0x112: {  	[tilespmem:s5+$0x98] =	vst.add.f32.msk $0xffff, v1  }
0x113: {  	v1 =	vld [tilespmem:s30+$0x0];
	_ =	sdelay $0x4  }
0x114: {  	[tilespmem:s5+$0xA8] =	vst.add.f32.msk $0xffff, v1  }
0x115: {  	v1 =	vld [tilespmem:s30+$0x10];
	_ =	sdelay $0x4  }
0x116: {  	[tilespmem:s5+$0xB8] =	vst.add.f32.msk $0xffff, v1  }
.LBB2_21:
0x117: {  	s31 =	sadd.s32 $0x1, s31  }
0x118: {  	p2 =	seq.s32 s31, $0x0  }
.Ltmp13:
0x119: {  	_ = 	snop;
	(pc) =	sbr.rel @p2 .LBB2_22-.Ltmp13, $2  }
0x11a: {  	_ =	sdelay $0x2  }
0x11b: {  	s30 =	sadd.s32 $0x80, s30;
	s28 =	sadd.s32 $0x1, s28;
	s29 =	smov.u32 s2  }
.LBB2_16:
0x11c: {  	v1 =	vld.msk [tilespmem:s28+$0x0], $0x1;
	_ =	sdelay $0x4  }
0x11d: {  	(v2sf) =	vpush v1, $0x0;
	_ =	sdelay $0xe  }
0x11e: {  	s2 =	spop (v2sf)  }
0x11f: {  	p2 =	sne.s32 s29, s2  }
.Ltmp14:
0x120: {  	_ = 	snop;
	(pc) =	sbr.rel @!p2 .LBB2_17-.Ltmp14, $3  }
0x121: {  	_ =	sdelay $0x1  }
0x122: {  	s5 =	sshll.u32 s26, $0x8  }
0x123: {  	s5 =	sshra.s32 s5, $0x2  }
0x124: {  	p2 =	seq.s32 s29, s4  }
.Ltmp15:
0x125: {  	_ = 	snop;
	(pc) =	sbr.rel @!p2 .LBB2_19-.Ltmp15, $1  }
0x126: {  	_ =	sdelay $0x3  }
.Ltmp16:
0x127: {  	s5 =	sadd.s32 $0x88, s5;
	(pc) =	sbr.rel .LBB2_20-.Ltmp16, $4  }
0x128: {  	[spmem:s18] =	stream.linear.scatter [tilespmem:s5], [sflag:$0x1], $0x40, $0x38;
	[tilespmem:$0x1EF88] =	vst v63  }
0x129: {  	_ =	swait.ge [sflag:s13], $0x40  }
0x12a: {  	[sflag:s13] =	ssyncset.done $0x0  }
0x12b: {  	[sflag:s13] =	ssyncadd.s32 $0xFFFFFFC0  }
.LBB2_19:
0x12c: {  	s7 =	sshll.u32 s0, $0x8  }
0x12d: {  	s7 =	sshra.s32 s7, $0x2  }
0x12e: {  	v1 =	vld [tilespmem:s7+$0x50C8];
	_ =	sdelay $0x4  }
0x12f: {  	[tilespmem:s5+$0x88] =	vst.add.f32.msk $0xffff, v1  }
0x130: {  	v1 =	vld [tilespmem:s7+$0x50D8];
	_ =	sdelay $0x4  }
0x131: {  	[tilespmem:s5+$0x98] =	vst.add.f32.msk $0xffff, v1  }
0x132: {  	v1 =	vld [tilespmem:s7+$0x50E8];
	_ =	sdelay $0x4  }
0x133: {  	[tilespmem:s5+$0xA8] =	vst.add.f32.msk $0xffff, v1  }
0x134: {  	v1 =	vld [tilespmem:s7+$0x50F8];
	_ =	sdelay $0x2  }
0x135: {  	p2 =	sgt.u32 s29, $0xC34F8  }
0x136: {  	s7 =	sand.u32 @!p2 $0xFFFF8, s29  }
0x137: {  	s8 =	sadd.s32 $0x88, s5;
	[tilespmem:s5+$0xB8] =	vst.add.f32.msk $0xffff, v1;
	s5 =	sadd.s32 @!p2 s1, s7;
	s7 =	sand.u32 @!p2 $0x7, s29  }
0x138: {  	[hbm4b:s5+s7] =	stream.linear.scatter @!p2 [tilespmem:s8], [sflag:$0xC], $0x40, $0x38;
	[tilespmem:$0x1EF88] =	vst v63  }
0x139: {  	s5 =	simm.s32 $0x0  }
0x13a: {  	s5 =	simm.s32 @!p2 $0x100  }
0x13b: {  	s3 =	sadd.s32 s5, s3  }
.LBB2_20:
0x13c: {  	s5 =	sadd.s32 $0x1, s26  }
0x13d: {  	s7 =	smulhi.u32 $0xCCCCCCCD, s5;
	_ =	sdelay $0x1  }
0x13e: {  	v1 =	vld [tilespmem:s30+$0xFFFFFFE0];
	s7 =	sshrl.u32 s7, $0x8  }
0x13f: {  	s7 =	smul.u32 $0x140, s7;
	_ =	sdelay $0x1  }
0x140: {  	s26 =	ssub.s32 s5, s7  }
0x141: {  	s5 =	sshll.u32 s26, $0x6  }
0x142: {  	[tilespmem:s5+$0x88] =	vst v1  }
0x143: {  	v1 =	vld [tilespmem:s30+$0xFFFFFFF0];
	_ =	sdelay $0x4  }
0x144: {  	[tilespmem:s5+$0x98] =	vst v1  }
0x145: {  	v1 =	vld [tilespmem:s30+$0x0];
	_ =	sdelay $0x4  }
0x146: {  	[tilespmem:s5+$0xA8] =	vst v1  }
0x147: {  	v1 =	vld [tilespmem:s30+$0x10]  }
.Ltmp17:
0x148: {  	_ = 	snop;
	(pc) =	sbr.rel .LBB2_21-.Ltmp17, $2  }
0x149: {  	_ =	sdelay $0x2  }
0x14a: {  	s0 =	sadd.s32 $0x1, s0;
	[tilespmem:s5+$0xB8] =	vst v1  }
.LBB2_23:
.Ltmp18:
0x14b: {  	(pc) =	sbr.rel .LBB2_24-.Ltmp18, $4  }
0x14c: {  	_ = 	snop  }
0x14d: {  	s0 =	simm.s32 $0x2  }
0x14e: {  	_ =	swait.ge [sflag:s0], $0x0  }
0x14f: {  	s2 =	smov.u32 s29;
	[sflag:s0] =	ssyncset.done $0x0;
	s0 =	simm.s32 $0x0  }
.LBB2_26:
0x150: {  	_ =	sfence.sel $0x180000  }
0x151: {  	s0 =	simm.s32 $0x9;
	[bflag:$0x0] =	sbarrier.arrive $0xFFFF  }
0x152: {  	s24 =	simm.s32 $0xA;
	[sflag:s0] =	ssyncpa.u1 $0x1  }
0x153: {  	s25 =	simm.s32 $0xB;
	[sflag:s24] =	ssyncpa.u1 $0x1  }
0x154: {  	s26 =	simm.s32 $0x2;
	[sflag:s25] =	ssyncpa.u1 $0x1  }
0x155: {  	[sflag:s26] =	ssyncpa.u1 $0x1  }
0x156: {  	v0 =	vld [tilespmem:$0xA108];
	_ =	sdelay $0x4  }
0x157: {  	(v2sf) =	vpush v0, $0x0  }
0x158: {  	(v2sf) =	vpush v0, $0x1;
	_ =	sdelay $0x1  }
0x159: {  	(v2sf) =	vpush v0, $0x2;
	_ =	sdelay $0xb  }
0x15a: {  	s0 =	spop (v2sf)  }
0x15b: {  	s2 =	spop (v2sf)  }
0x15c: {  	s3 =	smov.u32 s0;
	p0 =	sne.s32 s0, s2  }
0x15d: {  	s4 =	spop (v2sf);
	s3 =	simm.s32 @!p0 $0xFFFFFFFF  }
0x15e: {  	v2 =	vimm.s32 $0x1;
	v3 =	vlaneseq.u32;
	p0 =	seq.s32 s4, $0xFFFFFFFF;
	v1 =	vmov s3  }
0x15f: {  	s14 =	stileid.u32;
	v0 =	vperm.xlane v0, v2;
	p1 =	sne.s32 @!p0 s0, s2;
	v1 =	vperm.xlane v1, v3  }
0x160: {  	vm0 =	vcmask $0x3F04;
	s6 =	simm.s32 $0xA108;
	s0 =	simm.s32 @!p0 $0x1;
	p1 =	por !p1, p0  }
0x161: {  	s3 =	sshll.u32 s14, $0x1;
	s2 =	sshll.u32 @!p0 s4, $0x8;
	s0 =	simm.s32 @p1 $0x0;
	v0 =	vsel vm0, v1, v0  }
0x162: {  	s5 =	sor.u32 $0x800, s3;
	s2 =	sshra.s32 @!p0 s2, $0x2;
	s0 =	sor.u32 @!p0 s0, s3;
	[tilespmem:$0xA108] =	vst v0  }
0x163: {  	[spmem:s5] =	stream.linear.scatter [tilespmem:s6], [sflag:$0x1], $0x2, $0x38;
	[tilespmem:$0x1EF88] =	vst v63  }
0x164: {  	s2 =	sadd.s32 @!p0 $0x88, s2;
	s0 =	sshll.u32 @!p0 s0, $0x6  }
0x165: {  	[spmem:s0] =	stream.linear.scatter @!p0 [tilespmem:s2], [sflag:$0x1], $0x40, $0x38;
	[tilespmem:$0x1EF88] =	vst v63  }
0x166: {  	s0 =	simm.s32 @!p0 $0x42  }
0x167: {  	s28 =	simm.s32 $0x1;
	s0 =	simm.s32 @p0 $0x2  }
0x168: {  	_ =	swait.ge [sflag:s28], s0  }
0x169: {  	s0 =	ssub.s32 $0x0, s0;
	[sflag:s28] =	ssyncset.done $0x0  }
0x16a: {  	p0 =	sne.s32 s14, $0x0;
	[sflag:s28] =	ssyncadd.s32 s0  }
.Ltmp19:
0x16b: {  	_ =	sfence.stream.spmem;
	(pc) =	sbr.rel @p0 .LBB2_43-.Ltmp19, $4  }
0x16c: {  	s29 =	simm.s32 $0x3;
	[bflag:$0x0] =	sbarrier.arrive $0xFFFF  }
0x16d: {  	s30 =	simm.s32 $0x4;
	[sflag:s29] =	ssyncpa.u1 $0x1  }
0x16e: {  	s31 =	simm.s32 $0x3C;
	[sflag:s30] =	ssyncpa.u1 $0x1  }
0x16f: {  	s13 =	rddreg [dreg:$0x4];
	[sflag:s31] =	ssyncpa.u1 $0x1  }
0x170: {  	_ =	sfence.stream.spmem;
	s0 =	simm.s32 $0x5  }
0x171: {  	s2 =	simm.s32 $0x800;
	s3 =	simm.s32 $0xA118;
	[sflag:s0] =	ssyncpa.u1 $0x0  }
0x172: {  	[tilespmem:s3], [sflag:$0x5] =	stream.linear.gather [spmem:s2], $0x20, $0x38;
	[tilespmem:$0x1EF88] =	vst v63  }
0x173: {  	s26 =	simm.s32 $0x0;
	s28 =	simm.s32 $0xA138  }
0x174: {  	[tilespmem:s28], [sflag:$0x5] =	stream.linear.gather [spmem:s26], $0x800, $0x38;
	[tilespmem:$0x1EF88] =	vst v63  }
0x175: {  	_ =	swait.ge [sflag:s0], $0x820  }
0x176: {  	[sflag:s0] =	ssyncset.done $0x0  }
0x177: {  	s29 =	simm.s32 $0x0;
	[sflag:s0] =	ssyncadd.s32 $0xFFFFF7E0  }
0x178: {  	v0 =	vld.msk [tilespmem:s29+$0xA118], $0x1;
	_ =	sdelay $0x1  }
0x179: {  	s30 =	simm.s32 $0x1  }
0x17a: {  	v1 =	vld.msk [tilespmem:s30+$0xA118], $0x1;
	_ =	sdelay $0x1  }
0x17b: {  	(v2sf) =	vpush v0, $0x0;
	_ =	sdelay $0x2  }
0x17c: {  	(v2sf) =	vpush v1, $0x0;
	_ =	sdelay $0x2  }
0x17d: {  	s31 =	simm.s32 $0x2  }
0x17e: {  	v0 =	vld.msk [tilespmem:s31+$0xA118], $0x1;
	_ =	sdelay $0x2  }
0x17f: {  	s2 =	simm.s32 $0xFFFFFFFF;
	s3 =	simm.s32 $0xFFFFFFFF;
	s0 =	simm.s32 $0xC  }
.LBB2_28:
0x180: {  	s4 =	smov.u32 s3;
	s5 =	smov.u32 s2  }
0x181: {  	s2 =	sshra.s32 s0, $0x2;
	p1 =	sne.s32 s0, $0x7C;
	s0 =	sadd.s32 $0x4, s0;
	(v2sf) =	vpush v0, $0x0  }
0x182: {  	v0 =	vld.msk [tilespmem:s2+$0xA118], $0x1  }
.Ltmp20:
0x183: {  	(pc) =	sbr.rel @p1 .LBB2_28-.Ltmp20, $4  }
0x184: {  	s3 =	spop (v2sf)  }
0x185: {  	p2 =	sne.s32 s5, $0xFFFFFFFF;
	s2 =	smov.u32 s3  }
0x186: {  	p3 =	seq.s32 s3, $0xFFFFFFFF;
	s2 =	smov.u32 @p2 s5  }
0x187: {  	s3 =	smov.u32 @p3 s4;
	s2 =	smov.u32 @p3 s5  }
0x188: {  	(v2sf) =	vpush v0, $0x0;
	_ =	sdelay $0x8  }
0x189: {  	s0 =	spop (v2sf)  }
0x18a: {  	p1 =	sne.s32 s2, $0xFFFFFFFF;
	s4 =	smov.u32 s0  }
0x18b: {  	s6 =	simm.s32 $0x0;
	p2 =	seq.s32 s0, $0xFFFFFFFF;
	s4 =	smov.u32 @p1 s2  }
0x18c: {  	s9 =	simm.s32 $0xA0C8;
	s4 =	smov.u32 @p2 s2;
	s2 =	spop (v2sf)  }
0x18d: {  	s0 =	smov.u32 @p2 s3;
	p1 =	sne.s32 s4, $0xFFFFFFFF;
	s5 =	smov.u32 s2  }
.Ltmp21:
0x18e: {  	p2 =	seq.s32 s2, $0xFFFFFFFF;
	s5 =	smov.u32 @p1 s4;
	(pc) =	sbr.rel .LBB2_30-.Ltmp21, $4  }
0x18f: {  	s10 =	simm.s32 $0x0;
	s5 =	smov.u32 @p2 s4;
	s7 =	spop (v2sf)  }
0x190: {  	s2 =	smov.u32 @p2 s0;
	p1 =	sne.s32 s5, $0xFFFFFFFF;
	s8 =	smov.u32 s7  }
0x191: {  	s0 =	simm.s32 $0x6;
	p2 =	seq.s32 s7, $0xFFFFFFFF;
	s8 =	smov.u32 @p1 s5  }
0x192: {  	[sflag:s0] =	ssyncpa.u1 $0x0;
	s7 =	smov.u32 @p2 s2;
	s8 =	smov.u32 @p2 s5  }
.LBB2_36:
0x193: {  	p1 =	sgt.u32 s2, $0xC34F8  }
0x194: {  	p2 =	seq.s32 @!p1 s2, s8  }
0x195: {  	p1 =	por p1, p2  }
0x196: {  	p2 =	sne.s32 @!p1 s2, s7  }
0x197: {  	p1 =	por p1, !p2  }
0x198: {  	s2 =	sshll.u32 @p1 s10, $0x8  }
0x199: {  	s3 =	sand.u32 @!p1 $0xFFFF8, s2  }
0x19a: {  	s2 =	sand.u32 @!p1 $0x7, s2;
	s3 =	sadd.s32 @!p1 s1, s3  }
0x19b: {  	[tilespmem:s9], [sflag:$0x6] =	stream.linear.gather @!p1 [hbm4b:s3+s2], $0x40, $0x38;
	[tilespmem:$0x1EF88] =	vst v63  }
0x19c: {  	_ =	swait.ge @!p1 [sflag:s0], $0x40  }
0x19d: {  	[sflag:s0] =	ssyncset.done @!p1 $0x0  }
0x19e: {  	[sflag:s0] =	ssyncadd.s32 @!p1 $0xFFFFFFC0  }
0x19f: {  	v1 =	vld @!p1 [tilespmem:$0xA0C8];
	_ =	sdelay $0x2  }
0x1a0: {  	s2 =	sshll.u32 @!p1 s10, $0x8  }
0x1a1: {  	s3 =	sshrl.u32 @!p1 s2, $0x2  }
0x1a2: {  	[tilespmem:s3+$0xA138] =	vst.add.f32.msk @!p1 $0xffff, v1  }
0x1a3: {  	v1 =	vld @!p1 [tilespmem:$0xA0D8];
	_ =	sdelay $0x4  }
0x1a4: {  	[tilespmem:s3+$0xA148] =	vst.add.f32.msk @!p1 $0xffff, v1  }
0x1a5: {  	v1 =	vld @!p1 [tilespmem:$0xA0E8];
	_ =	sdelay $0x4  }
0x1a6: {  	[tilespmem:s3+$0xA158] =	vst.add.f32.msk @!p1 $0xffff, v1  }
0x1a7: {  	v1 =	vld @!p1 [tilespmem:$0xA0F8];
	_ =	sdelay $0x4  }
0x1a8: {  	[tilespmem:s3+$0xA168] =	vst.add.f32.msk @!p1 $0xffff, v1  }
0x1a9: {  	s2 =	sshrl.u32 s2, $0x2;
	[tilespmem:s6+$0xA118] =	vst.msk $0x1, v0  }
0x1aa: {  	v0 =	vld [tilespmem:s2+$0xA138];
	_ =	sdelay $0x2  }
0x1ab: {  	s31 =	sshll.u32 s6, $0x8  }
0x1ac: {  	s3 =	sshra.s32 s31, $0x2  }
0x1ad: {  	[tilespmem:s3+$0xA138] =	vst v0  }
0x1ae: {  	v0 =	vld [tilespmem:s2+$0xA148];
	_ =	sdelay $0x4  }
0x1af: {  	[tilespmem:s3+$0xA148] =	vst v0  }
0x1b0: {  	v0 =	vld [tilespmem:s2+$0xA158];
	_ =	sdelay $0x4  }
0x1b1: {  	[tilespmem:s3+$0xA158] =	vst v0  }
0x1b2: {  	v0 =	vld [tilespmem:s2+$0xA168];
	_ =	sdelay $0x4  }
0x1b3: {  	s6 =	sadd.s32 $0x1, s6;
	[tilespmem:s3+$0xA168] =	vst v0  }
.LBB2_37:
0x1b4: {  	s10 =	sadd.s32 $0x1, s10  }
0x1b5: {  	p1 =	sne.s32 s10, $0x20  }
.Ltmp22:
0x1b6: {  	_ = 	snop;
	(pc) =	sbr.rel @!p1 .LBB2_38-.Ltmp22, $1  }
0x1b7: {  	_ =	sdelay $0x3  }
.LBB2_30:
0x1b8: {  	v0 =	vld.msk [tilespmem:s10+$0xA118], $0x1;
	_ =	sdelay $0x4  }
0x1b9: {  	(v2sf) =	vpush v0, $0x0;
	_ =	sdelay $0xe  }
0x1ba: {  	s2 =	spop (v2sf)  }
0x1bb: {  	p1 =	seq.s32 s2, $0xFFFFFFFF  }
.Ltmp23:
0x1bc: {  	_ = 	snop;
	(pc) =	sbr.rel @p1 .LBB2_37-.Ltmp23, $1  }
0x1bd: {  	_ =	sdelay $0x3  }
0x1be: {  	p1 =	slt.s32 s6, $0x1  }
.Ltmp24:
0x1bf: {  	_ = 	snop;
	(pc) =	sbr.rel @p1 .LBB2_36-.Ltmp24, $1  }
0x1c0: {  	_ =	sdelay $0x3  }
0x1c1: {  	s3 =	simm.s32 $0xA118;
	p1 =	por $0x0, $0x0  }
0x1c2: {  	v1 =	vld.msk @!p1 [tilespmem:s3+$0x0], $0x1;
	_ =	sdelay $0x4  }
0x1c3: {  	(v2sf) =	vpush @!p1 v1, $0x0;
	_ =	sdelay $0xd  }
0x1c4: {  	p3 =	sne.s32 s6, $0x1  }
.Ltmp25:
0x1c5: {  	s4 =	spop @!p1 (v2sf);
	(pc) =	sbr.rel @!p3 .LBB2_34-.Ltmp25, $4  }
0x1c6: {  	p2 =	seq.s32 @!p1 s2, s4  }
0x1c7: {  	s4 =	simm.s32 $0x0;
	p2 =	por !p2, p1  }
0x1c8: {  	s11 =	simm.s32 $0xFFFFFFFF;
	s4 =	simm.s32 @p2 $0xFFFFFFFF  }
0x1c9: {  	s5 =	simm.s32 $0x1;
	s4 =	smov.u32 @p1 s11  }
.LBB2_33:
0x1ca: {  	s11 =	smov.u32 s4;
	p1 =	sne.s32 s4, $0xFFFFFFFF  }
0x1cb: {  	s3 =	sadd.s32 $0x1, s3;
	s4 =	smov.u32 s5;
	s5 =	sadd.s32 $0x1, s5  }
0x1cc: {  	p2 =	sne.s32 s6, s5;
	v1 =	vld.msk @!p1 [tilespmem:s3+$0x0], $0x1;
	_ =	sdelay $0x4  }
0x1cd: {  	(v2sf) =	vpush @!p1 v1, $0x0;
	_ =	sdelay $0xe  }
.Ltmp26:
0x1ce: {  	s12 =	spop @!p1 (v2sf);
	(pc) =	sbr.rel @p2 .LBB2_33-.Ltmp26, $4  }
0x1cf: {  	p3 =	seq.s32 @!p1 s2, s12  }
0x1d0: {  	p3 =	por !p3, p1  }
0x1d1: {  	s4 =	simm.s32 @p3 $0xFFFFFFFF  }
0x1d2: {  	s4 =	smov.u32 @p1 s11  }
.LBB2_34:
0x1d3: {  	p1 =	seq.s32 s4, $0xFFFFFFFF  }
.Ltmp27:
0x1d4: {  	_ = 	snop;
	(pc) =	sbr.rel @p1 .LBB2_36-.Ltmp27, $1  }
0x1d5: {  	_ =	sdelay $0x3  }
0x1d6: {  	s2 =	sshll.u32 s10, $0x6  }
0x1d7: {  	s2 =	sand.u32 $0x3FFFFFC0, s2  }
0x1d8: {  	v0 =	vld [tilespmem:s2+$0xA138];
	_ =	sdelay $0x2  }
0x1d9: {  	s3 =	sshll.u32 s4, $0x8  }
0x1da: {  	s3 =	sshra.s32 s3, $0x2  }
0x1db: {  	[tilespmem:s3+$0xA138] =	vst.add.f32.msk $0xffff, v0  }
0x1dc: {  	v0 =	vld [tilespmem:s2+$0xA148];
	_ =	sdelay $0x4  }
0x1dd: {  	[tilespmem:s3+$0xA148] =	vst.add.f32.msk $0xffff, v0  }
0x1de: {  	v0 =	vld [tilespmem:s2+$0xA158];
	_ =	sdelay $0x4  }
0x1df: {  	[tilespmem:s3+$0xA158] =	vst.add.f32.msk $0xffff, v0  }
0x1e0: {  	v0 =	vld [tilespmem:s2+$0xA168]  }
.Ltmp28:
0x1e1: {  	_ = 	snop;
	(pc) =	sbr.rel .LBB2_37-.Ltmp28, $2  }
0x1e2: {  	_ =	sdelay $0x2  }
0x1e3: {  	[tilespmem:s3+$0xA168] =	vst.add.f32.msk $0xffff, v0  }
.LBB2_38:
0x1e4: {  	s0 =	simm.s32 $0x6;
	p1 =	seq.s32 s6, $0x0  }
0x1e5: {  	[sflag:s0] =	ssyncpa.u1 $0x1;
	v0 =	vimm.s32 @p1 $0xFFFFFFFF  }
0x1e6: {  	s0 =	sadd.s32 $0xFFFFFFFF, s6;
	[tilespmem:$0xA938] =	vst @p1 v0  }
0x1e7: {  	v0 =	vld.msk @!p1 [tilespmem:s0+$0xA118], $0x1;
	_ =	sdelay $0x1  }
0x1e8: {  	v1 =	vld.msk @!p1 [tilespmem:$0xA118], $0x1;
	_ =	sdelay $0x2  }
0x1e9: {  	p2 =	seq.s32 @!p1 s0, $0x0;
	v0 =	vbroadcast @!p1 v0, $0x0  }
0x1ea: {  	vm0 =	vmmov @!p1 $0x1;
	p2 =	por !p2, p1  }
0x1eb: {  	v1 =	vnsel @!p1 vm0, $0xFFFFFFFF, v1;
	vm0 =	vcmask @!p1 $0x308;
	v0 =	vpsel !p2, $0xFFFFFFFF, v0  }
0x1ec: {  	p2 =	sne.s32 @!p1 s8, s7;
	v0 =	vsel @!p1 vm0, v1, v0  }
0x1ed: {  	s2 =	simm.s32 @!p1 $0xA138;
	s3 =	simm.s32 @!p1 $0x0;
	p3 =	por !p2, p1;
	[tilespmem:$0xA938] =	vst @!p1 v0  }
0x1ee: {  	[spmem:s3] =	stream.linear.scatter @!p1 [tilespmem:s2], [sflag:$0x1], $0x40, $0x38;
	[tilespmem:$0x1EF88] =	vst v63  }
0x1ef: {  	s2 =	sshll.u32 @!p3 s0, $0x8  }
0x1f0: {  	s2 =	sshra.s32 @!p3 s2, $0x2  }
0x1f1: {  	s3 =	simm.s32 @!p3 $0x40;
	s2 =	sadd.s32 @!p3 $0xA138, s2  }
0x1f2: {  	[spmem:s3] =	stream.linear.scatter @!p3 [tilespmem:s2], [sflag:$0x1], $0x40, $0x38;
	[tilespmem:$0x1EF88] =	vst v63  }
0x1f3: {  	s2 =	simm.s32 @!p3 $0x1  }
0x1f4: {  	_ =	swait.ge @!p3 [sflag:s2], $0x80  }
0x1f5: {  	p1 =	por p2, p1;
	[sflag:s2] =	ssyncset.done @!p3 $0x0  }
0x1f6: {  	[sflag:s2] =	ssyncadd.s32 @!p3 $0xFFFFFF80;
	s2 =	simm.s32 @!p1 $0x1  }
0x1f7: {  	_ =	swait.ge @!p1 [sflag:s2], $0x40  }
0x1f8: {  	s29 =	simm.s32 $0xA938;
	[sflag:s2] =	ssyncset.done @!p1 $0x0  }
0x1f9: {  	s30 =	simm.s32 $0x800;
	s31 =	simm.s32 $0x1;
	[sflag:s2] =	ssyncadd.s32 @!p1 $0xFFFFFFC0  }
0x1fa: {  	[spmem:s30] =	stream.linear.scatter [tilespmem:s29], [sflag:$0x1], $0x10, $0x38;
	[tilespmem:$0x1EF88] =	vst v63  }
0x1fb: {  	_ =	swait.ge [sflag:s31], $0x10  }
0x1fc: {  	[sflag:s31] =	ssyncset.done $0x0  }
0x1fd: {  	p1 =	seq.s32 s13, $0x0;
	s9 =	rddreg [dreg:$0x1];
	[sflag:s31] =	ssyncadd.s32 $0xFFFFFFF0  }
0x1fe: {  	s3 =	sshll.u32 @p1 s9, $0xE;
	s8 =	rddreg [dreg:$0x2]  }
0x1ff: {  	s2 =	sadd.s32 @p1 $0x15C3C, s3;
	s3 =	sshll.u32 @p1 s8, $0x11  }
0x200: {  	_ =	sfence.stream.spmem;
	s2 =	sor.u32 @p1 s3, s2  }
0x201: {  	[sflag:s2] =	ssyncadd.remote.s32 @p1 $0x1;
	s2 =	simm.s32 @p1 $0x4  }
0x202: {  	s4 =	simm.s32 @!p1 $0x3C;
	s3 =	sand.u32 $0xFFFFFFFE, s9;
	_ =	swait.ge @p1 [sflag:s2], $0x12  }
0x203: {  	s5 =	simm.s32 @!p1 $0x0;
	s3 =	sadd.s32 @!p1 $0x4, s3;
	[sflag:s2] =	ssyncset.done @p1 $0x0  }
0x204: {  	s7 =	simm.s32 @!p1 $0x80;
	[sflag:s2] =	ssyncadd.s32 @p1 $0xFFFFFFEE;
	s2 =	sshll.u32 @!p1 s3, $0x1A  }
0x205: {  	s3 =	sshll.u32 @!p1 s3, $0xD;
	s2 =	sor.u32 @!p1 s2, s8;
	_ =	swait.eq @!p1 [sflag:s4], $0x1  }
0x206: {  	s3 =	sor.u32 @!p1 $0x1C04, s3;
	s4 =	simm.s32 @!p1 $0x1C03;
	s2 =	sor.u32 @!p1 $0x80004000, s2  }
0x207: {  	[spmem:s7], [sflag:s3] =	dma.general @!p1 [spmem:s5], [sflag:s4], length:$0x10, [dreg:$0x0], stride_count:$0x0, ici_dest:s2, dma_misc:DstOpCode:WRITE  }
0x208: {  	p2 =	slt.s32 s0, $0x2;
	s5 =	simm.s32 @!p1 $0x100;
	s7 =	simm.s32 @!p1 $0x102  }
0x209: {  	[spmem:s7], [sflag:s3] =	dma.general @!p1 [spmem:s5], [sflag:s4], length:$0x2, [dreg:$0x0], stride_count:$0x0, ici_dest:s2, dma_misc:DstOpCode:WRITE  }
.Ltmp29:
0x20a: {  	s2 =	simm.s32 @!p1 $0x3;
	(pc) =	sbr.rel @p2 .LBB2_42-.Ltmp29, $4  }
0x20b: {  	s3 =	sshll.u32 @!p1 s9, $0xE;
	_ =	swait.ge @!p1 [sflag:s2], $0x12  }
0x20c: {  	s4 =	sshll.u32 @!p1 s8, $0x11;
	s3 =	sadd.s32 @!p1 $0x11C3C, s3;
	[sflag:s2] =	ssyncset.done @!p1 $0x0  }
0x20d: {  	[sflag:s2] =	ssyncadd.s32 @!p1 $0xFFFFFFEE;
	s2 =	sor.u32 @!p1 s4, s3  }
0x20e: {  	s0 =	simm.s32 $0x0;
	[sflag:s2] =	ssyncadd.remote.s32 @!p1 $0xFFFFFFFF  }
0x20f: {  	s0 =	simm.s32 $0xA119  }
0x210: {  	v0 =	vld.msk [tilespmem:s0+$0x0], $0x1;
	_ =	sdelay $0x4  }
0x211: {  	(v2sf) =	vpush v0, $0x0;
	_ =	sdelay $0xc  }
0x212: {  	s2 =	sadd.s32 $0xFFFFFFFE, s6  }
0x213: {  	s2 =	sadd.s32 $0xFFFFFFFF, s2  }
0x214: {  	p2 =	sne.s32 s2, $0x0;
	s3 =	spop (v2sf)  }
.Ltmp30:
0x215: {  	p1 =	sgt.u32 s3, $0xC34F8;
	(pc) =	sbr.rel @!p2 .LBB2_41-.Ltmp30, $4  }
0x216: {  	s5 =	simm.s32 $0x0;
	s4 =	sand.u32 @!p1 $0xFFFF8, s3  }
0x217: {  	s0 =	simm.s32 $0xA178;
	s3 =	sand.u32 @!p1 $0x7, s3;
	s4 =	sadd.s32 @!p1 s1, s4  }
0x218: {  	[hbm4b:s4+s3] =	stream.linear.scatter @!p1 [tilespmem:s0], [sflag:$0x5], $0x40, $0x38;
	[tilespmem:$0x1EF88] =	vst v63  }
0x219: {  	s5 =	simm.s32 @!p1 $0x100;
	s3 =	simm.s32 $0x0;
	s4 =	simm.s32 $0xA11A  }
.LBB2_40:
0x21a: {  	v0 =	vld.msk [tilespmem:s4+$0x0], $0x1;
	s2 =	sadd.s32 $0xFFFFFFFF, s2;
	s3 =	sadd.s32 s3, s5  }
0x21b: {  	p1 =	sne.s32 s2, $0x0;
	_ =	sdelay $0x3  }
0x21c: {  	(v2sf) =	vpush v0, $0x0;
	_ =	sdelay $0xe  }
.Ltmp31:
0x21d: {  	s6 =	spop (v2sf);
	(pc) =	sbr.rel @p1 .LBB2_40-.Ltmp31, $4  }
0x21e: {  	s5 =	simm.s32 $0x0;
	p2 =	sgt.u32 s6, $0xC34F8  }
0x21f: {  	s0 =	sadd.s32 $0x40, s0;
	s5 =	simm.s32 @!p2 $0x100;
	s7 =	sand.u32 @!p2 $0xFFFF8, s6  }
0x220: {  	s4 =	sadd.s32 $0x1, s4;
	s6 =	sand.u32 @!p2 $0x7, s6;
	s7 =	sadd.s32 @!p2 s1, s7  }
0x221: {  	[hbm4b:s7+s6] =	stream.linear.scatter @!p2 [tilespmem:s0], [sflag:$0x5], $0x40, $0x38;
	[tilespmem:$0x1EF88] =	vst v63  }
.LBB2_41:
0x222: {  	s0 =	sadd.s32 s3, s5  }
0x223: {  	s0 =	sshrl.u32 s0, $0x2  }
.LBB2_42:
0x224: {  	s2 =	simm.s32 $0x5  }
0x225: {  	_ =	swait.ge [sflag:s2], s0  }
0x226: {  	s31 =	ssub.s32 $0x0, s0;
	[sflag:s2] =	ssyncset.done $0x0  }
0x227: {  	[sflag:s2] =	ssyncadd.s32 s31  }
0x228: {  	[sflag:s2] =	ssyncpa.u1 $0x1  }
.LBB2_43:
0x229: {  	s0 =	sor.u32 s13, s14  }
0x22a: {  	p1 =	sne.s32 s0, $0x0  }
.Ltmp32:
0x22b: {  	_ = 	snop;
	(pc) =	sbr.rel @p1 .LBB2_58-.Ltmp32, $3  }
0x22c: {  	_ =	sdelay $0x1  }
0x22d: {  	[bflag:$0x0] =	sbarrier.arrive $0xFFFF  }
0x22e: {  	_ =	sfence  }
0x22f: {  	s2 =	simm.s32 $0x7  }
0x230: {  	s0 =	simm.s32 $0x800;
	s3 =	simm.s32 $0xA118;
	[sflag:s2] =	ssyncpa.u1 $0x0  }
0x231: {  	[tilespmem:s3], [sflag:$0x7] =	stream.linear.gather [spmem:s0], $0x20, $0x38;
	[tilespmem:$0x1EF88] =	vst v63  }
0x232: {  	s30 =	simm.s32 $0xA138;
	s0 =	simm.s32 $0x0  }
0x233: {  	[tilespmem:s30], [sflag:$0x7] =	stream.linear.gather [spmem:s0], $0x800, $0x38;
	[tilespmem:$0x1EF88] =	vst v63  }
.Ltmp33:
0x234: {  	_ = 	snop;
	(pc) =	sbr.rel .LBB2_45-.Ltmp33, $4  }
0x235: {  	_ =	swait.ge [sflag:s2], $0x820  }
0x236: {  	[sflag:s2] =	ssyncset.done $0x0  }
0x237: {  	s31 =	simm.s32 $0x8;
	[sflag:s2] =	ssyncadd.s32 $0xFFFFF7E0  }
0x238: {  	s2 =	simm.s32 $0x0;
	[sflag:s31] =	ssyncpa.u1 $0x0  }
.LBB2_51:
0x239: {  	p1 =	slt.u32 s3, $0xC34F9  }
0x23a: {  	s4 =	sand.u32 @p1 $0xFFFF8, s3  }
0x23b: {  	s3 =	sand.u32 @p1 $0x7, s3;
	s5 =	simm.s32 @p1 $0xA0C8;
	s4 =	sadd.s32 @p1 s1, s4  }
0x23c: {  	[tilespmem:s5], [sflag:$0x8] =	stream.linear.gather @p1 [hbm4b:s4+s3], $0x40, $0x38;
	[tilespmem:$0x1EF88] =	vst v63  }
0x23d: {  	s3 =	simm.s32 @p1 $0x8  }
0x23e: {  	_ =	swait.ge @p1 [sflag:s3], $0x40  }
0x23f: {  	[sflag:s3] =	ssyncset.done @p1 $0x0  }
0x240: {  	[sflag:s3] =	ssyncadd.s32 @p1 $0xFFFFFFC0  }
0x241: {  	v1 =	vld @p1 [tilespmem:$0xA0C8];
	_ =	sdelay $0x2  }
0x242: {  	s3 =	sshll.u32 @p1 s2, $0x8  }
0x243: {  	s4 =	sshrl.u32 @p1 s3, $0x2  }
0x244: {  	[tilespmem:s4+$0xA138] =	vst.add.f32.msk @p1 $0xffff, v1  }
0x245: {  	v1 =	vld @p1 [tilespmem:$0xA0D8];
	_ =	sdelay $0x4  }
0x246: {  	[tilespmem:s4+$0xA148] =	vst.add.f32.msk @p1 $0xffff, v1  }
0x247: {  	v1 =	vld @p1 [tilespmem:$0xA0E8];
	_ =	sdelay $0x4  }
0x248: {  	[tilespmem:s4+$0xA158] =	vst.add.f32.msk @p1 $0xffff, v1  }
0x249: {  	v1 =	vld @p1 [tilespmem:$0xA0F8];
	_ =	sdelay $0x3  }
0x24a: {  	s5 =	sshll.u32 @!p1 s2, $0x8  }
0x24b: {  	s5 =	smov.u32 @p1 s3;
	[tilespmem:s4+$0xA168] =	vst.add.f32.msk @p1 $0xffff, v1  }
0x24c: {  	s3 =	sshrl.u32 s5, $0x2;
	[tilespmem:s0+$0xA118] =	vst.msk $0x1, v0  }
0x24d: {  	v0 =	vld [tilespmem:s3+$0xA138];
	_ =	sdelay $0x2  }
0x24e: {  	s31 =	sshll.u32 s0, $0x8  }
0x24f: {  	s4 =	sshra.s32 s31, $0x2  }
0x250: {  	[tilespmem:s4+$0xA138] =	vst v0  }
0x251: {  	v0 =	vld [tilespmem:s3+$0xA148];
	_ =	sdelay $0x4  }
0x252: {  	[tilespmem:s4+$0xA148] =	vst v0  }
0x253: {  	v0 =	vld [tilespmem:s3+$0xA158];
	_ =	sdelay $0x4  }
0x254: {  	[tilespmem:s4+$0xA158] =	vst v0  }
0x255: {  	v0 =	vld [tilespmem:s3+$0xA168];
	_ =	sdelay $0x4  }
0x256: {  	s0 =	sadd.s32 $0x1, s0;
	[tilespmem:s4+$0xA168] =	vst v0  }
.LBB2_52:
0x257: {  	s2 =	sadd.s32 $0x1, s2  }
0x258: {  	p1 =	sne.s32 s2, $0x20  }
.Ltmp34:
0x259: {  	_ = 	snop;
	(pc) =	sbr.rel @!p1 .LBB2_53-.Ltmp34, $1  }
0x25a: {  	_ =	sdelay $0x3  }
.LBB2_45:
0x25b: {  	v0 =	vld.msk [tilespmem:s2+$0xA118], $0x1;
	_ =	sdelay $0x4  }
0x25c: {  	(v2sf) =	vpush v0, $0x0;
	_ =	sdelay $0xe  }
0x25d: {  	s3 =	spop (v2sf)  }
0x25e: {  	p1 =	seq.s32 s3, $0xFFFFFFFF  }
.Ltmp35:
0x25f: {  	_ = 	snop;
	(pc) =	sbr.rel @p1 .LBB2_52-.Ltmp35, $1  }
0x260: {  	_ =	sdelay $0x3  }
0x261: {  	p1 =	slt.s32 s0, $0x1  }
.Ltmp36:
0x262: {  	_ = 	snop;
	(pc) =	sbr.rel @p1 .LBB2_51-.Ltmp36, $1  }
0x263: {  	_ =	sdelay $0x3  }
0x264: {  	s4 =	simm.s32 $0xA118;
	p1 =	por $0x0, $0x0  }
0x265: {  	v1 =	vld.msk @!p1 [tilespmem:s4+$0x0], $0x1;
	_ =	sdelay $0x4  }
0x266: {  	(v2sf) =	vpush @!p1 v1, $0x0;
	_ =	sdelay $0xd  }
0x267: {  	p3 =	sne.s32 s0, $0x1  }
.Ltmp37:
0x268: {  	s5 =	spop @!p1 (v2sf);
	(pc) =	sbr.rel @!p3 .LBB2_49-.Ltmp37, $4  }
0x269: {  	p2 =	seq.s32 @!p1 s3, s5  }
0x26a: {  	s5 =	simm.s32 $0x0;
	p2 =	por !p2, p1  }
0x26b: {  	s7 =	simm.s32 $0xFFFFFFFF;
	s5 =	simm.s32 @p2 $0xFFFFFFFF  }
0x26c: {  	s6 =	simm.s32 $0x1;
	s5 =	smov.u32 @p1 s7  }
.LBB2_48:
0x26d: {  	s7 =	smov.u32 s5;
	p1 =	sne.s32 s5, $0xFFFFFFFF  }
0x26e: {  	s4 =	sadd.s32 $0x1, s4;
	s5 =	smov.u32 s6;
	s6 =	sadd.s32 $0x1, s6  }
0x26f: {  	p2 =	sne.s32 s0, s6;
	v1 =	vld.msk @!p1 [tilespmem:s4+$0x0], $0x1;
	_ =	sdelay $0x4  }
0x270: {  	(v2sf) =	vpush @!p1 v1, $0x0;
	_ =	sdelay $0xe  }
.Ltmp38:
0x271: {  	s8 =	spop @!p1 (v2sf);
	(pc) =	sbr.rel @p2 .LBB2_48-.Ltmp38, $4  }
0x272: {  	p3 =	seq.s32 @!p1 s3, s8  }
0x273: {  	p3 =	por !p3, p1  }
0x274: {  	s5 =	simm.s32 @p3 $0xFFFFFFFF  }
0x275: {  	s5 =	smov.u32 @p1 s7  }
.LBB2_49:
0x276: {  	p1 =	seq.s32 s5, $0xFFFFFFFF  }
.Ltmp39:
0x277: {  	_ = 	snop;
	(pc) =	sbr.rel @p1 .LBB2_51-.Ltmp39, $1  }
0x278: {  	_ =	sdelay $0x3  }
0x279: {  	s3 =	sshll.u32 s2, $0x6  }
0x27a: {  	s3 =	sand.u32 $0x3FFFFFC0, s3  }
0x27b: {  	v0 =	vld [tilespmem:s3+$0xA138];
	_ =	sdelay $0x2  }
0x27c: {  	s4 =	sshll.u32 s5, $0x8  }
0x27d: {  	s4 =	sshra.s32 s4, $0x2  }
0x27e: {  	[tilespmem:s4+$0xA138] =	vst.add.f32.msk $0xffff, v0  }
0x27f: {  	v0 =	vld [tilespmem:s3+$0xA148];
	_ =	sdelay $0x4  }
0x280: {  	[tilespmem:s4+$0xA148] =	vst.add.f32.msk $0xffff, v0  }
0x281: {  	v0 =	vld [tilespmem:s3+$0xA158];
	_ =	sdelay $0x4  }
0x282: {  	[tilespmem:s4+$0xA158] =	vst.add.f32.msk $0xffff, v0  }
0x283: {  	v0 =	vld [tilespmem:s3+$0xA168]  }
.Ltmp40:
0x284: {  	_ = 	snop;
	(pc) =	sbr.rel .LBB2_52-.Ltmp40, $2  }
0x285: {  	_ =	sdelay $0x2  }
0x286: {  	[tilespmem:s4+$0xA168] =	vst.add.f32.msk $0xffff, v0  }
.LBB2_53:
0x287: {  	p1 =	slt.s32 s0, $0x1  }
.Ltmp41:
0x288: {  	_ = 	snop;
	(pc) =	sbr.rel @p1 .LBB2_57-.Ltmp41, $3  }
0x289: {  	_ =	sdelay $0x1  }
0x28a: {  	s2 =	simm.s32 $0x8  }
0x28b: {  	[sflag:s2] =	ssyncpa.u1 $0x1;
	s2 =	simm.s32 $0x0  }
0x28c: {  	s3 =	simm.s32 $0xA118  }
0x28d: {  	v0 =	vld.msk [tilespmem:s3+$0x0], $0x1;
	_ =	sdelay $0x4  }
0x28e: {  	(v2sf) =	vpush v0, $0x0;
	_ =	sdelay $0xe  }
0x28f: {  	s0 =	sadd.s32 $0xFFFFFFFF, s0;
	s4 =	spop (v2sf)  }
0x290: {  	p2 =	sne.s32 s0, $0x0;
	p1 =	sgt.u32 s4, $0xC34F8  }
.Ltmp42:
0x291: {  	s5 =	sand.u32 @!p1 $0xFFFF8, s4;
	(pc) =	sbr.rel @!p2 .LBB2_56-.Ltmp42, $4  }
0x292: {  	s3 =	simm.s32 $0xA138;
	s4 =	sand.u32 @!p1 $0x7, s4;
	s5 =	sadd.s32 @!p1 s1, s5  }
0x293: {  	[hbm4b:s5+s4] =	stream.linear.scatter @!p1 [tilespmem:s3], [sflag:$0x7], $0x40, $0x38;
	[tilespmem:$0x1EF88] =	vst v63  }
0x294: {  	s5 =	simm.s32 $0x0  }
0x295: {  	s4 =	simm.s32 $0xA119;
	s5 =	simm.s32 @!p1 $0x100  }
.LBB2_55:
0x296: {  	v0 =	vld.msk [tilespmem:s4+$0x0], $0x1;
	s0 =	sadd.s32 $0xFFFFFFFF, s0;
	s2 =	sadd.s32 s2, s5  }
0x297: {  	p1 =	sne.s32 s0, $0x0;
	_ =	sdelay $0x3  }
0x298: {  	(v2sf) =	vpush v0, $0x0;
	_ =	sdelay $0xe  }
.Ltmp43:
0x299: {  	s6 =	spop (v2sf);
	(pc) =	sbr.rel @p1 .LBB2_55-.Ltmp43, $4  }
0x29a: {  	s5 =	simm.s32 $0x0;
	p2 =	sgt.u32 s6, $0xC34F8  }
0x29b: {  	s3 =	sadd.s32 $0x40, s3;
	s5 =	simm.s32 @!p2 $0x100;
	s7 =	sand.u32 @!p2 $0xFFFF8, s6  }
0x29c: {  	s4 =	sadd.s32 $0x1, s4;
	s6 =	sand.u32 @!p2 $0x7, s6;
	s7 =	sadd.s32 @!p2 s1, s7  }
0x29d: {  	[hbm4b:s7+s6] =	stream.linear.scatter @!p2 [tilespmem:s3], [sflag:$0x7], $0x40, $0x38;
	[tilespmem:$0x1EF88] =	vst v63  }
.LBB2_56:
0x29e: {  	s0 =	sadd.s32 s2, s5  }
0x29f: {  	s2 =	sshrl.u32 s0, $0x2  }
.LBB2_57:
0x2a0: {  	s0 =	simm.s32 $0x7  }
0x2a1: {  	_ =	swait.ge [sflag:s0], s2  }
0x2a2: {  	s1 =	ssub.s32 $0x0, s2;
	[sflag:s0] =	ssyncset.done $0x0  }
0x2a3: {  	[sflag:s0] =	ssyncadd.s32 s1  }
0x2a4: {  	[sflag:s0] =	ssyncpa.u1 $0x1  }
.LBB2_58:
0x2a5: {  	_ =	sfence;
	s0 =	simm.s32 $0x1  }
0x2a6: {  	[sflag:s0] =	ssyncpa.u1 $0x1  }
0x2a7: {  	_ =	strace $0x90000047  }
0x2a8: {  	[bflag:$0x2] =	sbarrier.arrive $0xFFFF  }
0x2a9: {  	s0 =	rddreg [dreg:$0x3]  }
0x2aa: {  	s0 =	sadd.s32 @!p0 $0x100000, s0  }
0x2ab: {  	[sflag:s0] =	ssyncadd.tile.s32 @!p0 $0x1;
	_ =	shalt  }
.Lfunc_end2:
_tile_overlayer_lowered:
.L_overlay_start_2:
0x2ac: {  	(tag) =	ssettag $0x2  }
0x2ad: {  	s0 =	rddreg [dreg:$0x0];
	s2 =	stileid.u32  }
0x2ae: {  	s1 =	rddreg [dreg:$0x1];
	p0 =	sne.s32 s2, $0x0  }
0x2af: {  	s3 =	rddreg [dreg:$0x2];
	[bflag:$0x3] =	sbarrier.arrive $0xFFFF;
	s2 =	simm.s32 @!p0 $0x1C01  }
0x2b0: {  	[timem:s3], [sflag:s2] =	dma.local @!p0 [hbm:s0], s1  }
0x2b1: {  	s0 =	simm.s32 @!p0 $0x1  }
0x2b2: {  	_ =	swait.ge @!p0 [sflag:s0], s1  }
0x2b3: {  	s1 =	ssub.s32 @!p0 $0x0, s1;
	[sflag:s0] =	ssyncset.done @!p0 $0x0  }
0x2b4: {  	[sflag:s0] =	ssyncadd.s32 @!p0 s1  }
0x2b5: {  	[bflag:$0x3] =	sbarrier.arrive $0xFFFF  }
0x2b6: {  	_ =	shalt  }

</sc_bundles>
